<compile_context>
chip_gen: v7x
topology: tpu7x:2x2x1
jax: 0.10.2.dev20260603
libtpu: 0.0.44.dev20260713+nightly
codegen_flags: <defaults>
</compile_context>

<pallas_src>
import jax
import jax.numpy as jnp
from jax import lax
from jax.experimental import pallas as pl
from jax.experimental.pallas import tpu as pltpu
from jax.experimental.pallas import tpu_sc as plsc

_L = 16

_PATHS1 = ("L", "R")
_PATHS2 = ("LL", "LR", "RL", "RR")
_PATHS3 = ("LLL", "LLR", "LRL", "LRR", "RLL", "RLR", "RRL", "RRR")

_SX = 0
_SW0 = 272
_SW1 = 544
_SW2 = 832
_SA = 1152
_SB = 1264
_SP = 1376
_OSTAGE = 1504
_TOTAL = 1520


def _sc_body(*refs):
    (x, w0, wl, wr, wll, wlr, wrl, wrr,
     a0, al, ar, all_, alr, arl, arr,
     b0, bl, br, bll, blr, brl, brr,
     p0, p1, p2, p3, p4, p5, p6, p7,
     out, t_v, sem) = refs

    def dma(src, slot, n):
        pltpu.async_copy(src, t_v.at[pl.ds(slot, n)], sem)

    dma(x, _SX, 261)
    dma(w0, _SW0, 261)
    for i, w in enumerate((wl, wr)):
        dma(w, _SW1 + 144 * i, 133)
    for i, w in enumerate((wll, wlr, wrl, wrr)):
        dma(w, _SW2 + 80 * i, 69)
    for i, a in enumerate((a0, al, ar, all_, alr, arl, arr)):
        dma(a, _SA + _L * i, 1)
    for i, b in enumerate((b0, bl, br, bll, blr, brl, brr)):
        dma(b, _SB + _L * i, 1)
    for i, p in enumerate((p0, p1, p2, p3, p4, p5, p6, p7)):
        dma(p, _SP + _L * i, 8)

    for i in range(4):
        pltpu.make_async_copy(
            x, t_v.at[pl.ds(_SX, 261)], sem).wait()
    pltpu.make_async_copy(
        x.at[pl.ds(0, 98)], t_v.at[pl.ds(_SX, 98)], sem).wait()

    lanes = lax.iota(jnp.int32, _L)
    headmask = lanes < 5

    xs = [t_v[pl.ds(_SX + _L * k, _L)] for k in range(17)]

    dnums = lax.GatherDimensionNumbers(
        offset_dims=(), collapsed_slice_dims=(0,), start_index_map=(0,))

    def lane_sum(acc):
        for step in (8, 4, 2, 1):
            idx = jnp.bitwise_xor(lanes, step)
            acc = acc + lax.gather(
                acc, idx[:, None], dnums, slice_sizes=(1,),
                mode=lax.GatherScatterMode.PROMISE_IN_BOUNDS)
        return acc

    def node_acc(ws, o4, nk):
        oc = o4 // _L
        xk0 = xs[0] if oc == 0 else jnp.where(headmask, xs[0], xs[oc])
        acc = xk0 * t_v[pl.ds(ws, _L)]
        for k in range(1, nk):
            acc = acc + xs[oc + k] * t_v[pl.ds(ws + _L * k, _L)]
        tail = xs[oc + nk] * t_v[pl.ds(ws + _L * nk, _L)]
        return acc + jnp.where(headmask, tail, 0.0)

    acc_root = node_acc(_SW0, 0, 16)
    acc_l = node_acc(_SW1, 0, 8)
    acc_r = node_acc(_SW1 + 144, 128, 8)
    acc_ll = node_acc(_SW2, 0, 4)
    acc_lr = node_acc(_SW2 + 80, 64, 4)
    acc_rl = node_acc(_SW2 + 160, 128, 4)
    acc_rr = node_acc(_SW2 + 240, 192, 4)

    def bcast(slot):
        return plsc.load_gather(t_v, [jnp.full((_L,), slot, jnp.int32)])

    av = [bcast(_SA + _L * i) for i in range(7)]
    bv = [bcast(_SB + _L * i) for i in range(7)]
    pv = [t_v[pl.ds(_SP + _L * i, _L)] for i in range(8)]

    z0 = av[0] * (lane_sum(acc_root) + bv[0])
    e0 = jnp.exp(-z0)
    gb0 = z0 >= 0.0

    acc1 = jnp.where(gb0, acc_r, acc_l)
    a1 = jnp.where(gb0, av[2], av[1])
    b1 = jnp.where(gb0, bv[2], bv[1])
    acc2a = jnp.where(gb0, acc_rl, acc_ll)
    acc2b = jnp.where(gb0, acc_rr, acc_lr)
    a2a = jnp.where(gb0, av[5], av[3])
    a2b = jnp.where(gb0, av[6], av[4])
    b2a = jnp.where(gb0, bv[5], bv[3])
    b2b = jnp.where(gb0, bv[6], bv[4])
    q0 = jnp.where(gb0, pv[4], pv[0])
    q1 = jnp.where(gb0, pv[5], pv[1])
    q2 = jnp.where(gb0, pv[6], pv[2])
    q3 = jnp.where(gb0, pv[7], pv[3])

    z1 = a1 * (lane_sum(acc1) + b1)
    e1 = jnp.exp(-z1)
    gb1 = z1 >= 0.0

    acc2 = jnp.where(gb1, acc2b, acc2a)
    a2 = jnp.where(gb1, a2b, a2a)
    b2 = jnp.where(gb1, b2b, b2a)
    r0 = jnp.where(gb1, q2, q0)
    r1 = jnp.where(gb1, q3, q1)
    s01 = 1.0 / ((1.0 + e0) * (1.0 + e1))

    z2 = a2 * (lane_sum(acc2) + b2)
    e2 = jnp.exp(-z2)
    gb2 = z2 >= 0.0

    p_leaf = jnp.where(gb2, r1, r0)
    t_v[pl.ds(_OSTAGE, _L)] = s01 / (1.0 + e2) * p_leaf
    pltpu.sync_copy(t_v.at[pl.ds(_OSTAGE, 8)], out)


_run_cache = []


def _get_run():
    if not _run_cache:
        _run_cache.append(pl.kernel(
            _sc_body,
            out_type=jax.ShapeDtypeStruct((8,), jnp.float32),
            mesh=plsc.VectorSubcoreMesh(core_axis_name="c", subcore_axis_name="s",
                                        num_cores=1, num_subcores=1),
            scratch_types=[
                pltpu.VMEM((_TOTAL,), jnp.float32),
                pltpu.SemaphoreType.DMA,
            ],
            compiler_params=pltpu.CompilerParams(needs_layout_passes=False),
        ))
    return _run_cache[0]


def kernel(x, params):
    args = [x, params["w_"]]
    args += [params["w_" + p] for p in _PATHS1]
    args += [params["w_" + p] for p in _PATHS2]
    args += [params["a_" + p] for p in ("",) + _PATHS1 + _PATHS2]
    args += [params["b_" + p] for p in ("",) + _PATHS1 + _PATHS2]
    args += [params["p_" + p] for p in _PATHS3]
    return _get_run()(*args)

# --- scband reference (transcript-rebuilt; emitter-appended) ---
"""Pipeline reference for scband-cluster-tree-28518582845633 (READ-ONLY COPY).

The authoritative reference and input builder live on the scoring server;
editing this copy changes nothing except your own understanding.
"""

import jax, jax.numpy as jnp
import numpy as np

MAX_DEPTH = 3
DEVICES = list(range(64))


def _split(devices):
    h = len(devices) // 2
    return devices[:h], devices[h:]


def setup_inputs(seed: int = 0) -> dict:
    key = jax.random.key(seed)
    nf = 5 + 4 * len(DEVICES)
    key, kx = jax.random.split(key)
    x = jax.random.normal(kx, (nf,), dtype=jnp.float32)
    params = {}

    def build(devices, depth, path):
        nonlocal key
        if depth == MAX_DEPTH:
            key, k = jax.random.split(key)
            params["p_" + path] = jax.random.normal(k, (len(devices),), dtype=jnp.float32) * 0.1
            return
        nfl = 5 + 4 * len(devices)
        key, k = jax.random.split(key)
        params["w_" + path] = jax.random.normal(k, (nfl,), dtype=jnp.float32) * 0.1
        params["b_" + path] = jnp.zeros((1,), jnp.float32)
        key, k = jax.random.split(key)
        params["a_" + path] = jax.random.normal(k, (1,), dtype=jnp.float32) * 0.1
        l, r = _split(devices)
        build(l, depth + 1, path + "L")
        build(r, depth + 1, path + "R")

    build(DEVICES, 0, "")
    return {"x": x, "params": params}


def reference(x, params):
    # Faithful translation of ClusterTree.forward (exploration disabled;
    # the torch code's explore branch references undefined attributes).
    n_devices = len(DEVICES)
    cur = x
    scale = jnp.ones((1,), jnp.float32)
    node = jnp.zeros((), jnp.int32)
    paths = [""]
    for depth in range(MAX_DEPTH):
        w = jnp.take(jnp.stack([params["w_" + p] for p in paths]), node, axis=0)
        b = jnp.take(jnp.stack([params["b_" + p] for p in paths]), node, axis=0)
        a = jnp.take(jnp.stack([params["a_" + p] for p in paths]), node, axis=0)
        val = jax.nn.sigmoid(a * (jnp.dot(cur, w) + b))  # shape (1,)
        go_right = val[0] >= 0.5
        h = (n_devices >> depth) // 2
        temp = cur[5:].reshape(-1, 4)
        sel = jnp.where(go_right, temp[h:2 * h], temp[:h])
        cur = jnp.concatenate([cur[0:5], sel.reshape(-1)], axis=0)
        scale = scale * val
        node = node * 2 + go_right.astype(jnp.int32)
        paths = [p + s for p in paths for s in ("L", "R")]
    leaves = jnp.stack([params["p_" + p] for p in paths])
    return scale * jnp.take(leaves, node, axis=0)

if __name__ == "__main__":
    import jax
    _d = setup_inputs()
    print(jax.jit(kernel)(*tuple(_d.values())))

</pallas_src>

<mosaic_0001>
#map = affine_map<(d0, d1) -> (0)>
module attributes {stable_mosaic.version = 14 : i64} {
  func.func @_sc_body(%arg0: i32, %arg1: i32, %arg2: memref<261xf32, #tpu.memory_space<hbm>>, %arg3: memref<261xf32, #tpu.memory_space<hbm>>, %arg4: memref<133xf32, #tpu.memory_space<hbm>>, %arg5: memref<133xf32, #tpu.memory_space<hbm>>, %arg6: memref<69xf32, #tpu.memory_space<hbm>>, %arg7: memref<69xf32, #tpu.memory_space<hbm>>, %arg8: memref<69xf32, #tpu.memory_space<hbm>>, %arg9: memref<69xf32, #tpu.memory_space<hbm>>, %arg10: memref<1xf32, #tpu.memory_space<hbm>>, %arg11: memref<1xf32, #tpu.memory_space<hbm>>, %arg12: memref<1xf32, #tpu.memory_space<hbm>>, %arg13: memref<1xf32, #tpu.memory_space<hbm>>, %arg14: memref<1xf32, #tpu.memory_space<hbm>>, %arg15: memref<1xf32, #tpu.memory_space<hbm>>, %arg16: memref<1xf32, #tpu.memory_space<hbm>>, %arg17: memref<1xf32, #tpu.memory_space<hbm>>, %arg18: memref<1xf32, #tpu.memory_space<hbm>>, %arg19: memref<1xf32, #tpu.memory_space<hbm>>, %arg20: memref<1xf32, #tpu.memory_space<hbm>>, %arg21: memref<1xf32, #tpu.memory_space<hbm>>, %arg22: memref<1xf32, #tpu.memory_space<hbm>>, %arg23: memref<1xf32, #tpu.memory_space<hbm>>, %arg24: memref<8xf32, #tpu.memory_space<hbm>>, %arg25: memref<8xf32, #tpu.memory_space<hbm>>, %arg26: memref<8xf32, #tpu.memory_space<hbm>>, %arg27: memref<8xf32, #tpu.memory_space<hbm>>, %arg28: memref<8xf32, #tpu.memory_space<hbm>>, %arg29: memref<8xf32, #tpu.memory_space<hbm>>, %arg30: memref<8xf32, #tpu.memory_space<hbm>>, %arg31: memref<8xf32, #tpu.memory_space<hbm>>, %arg32: memref<8xf32, #tpu.memory_space<hbm>>, %arg33: memref<1520xf32, #tpu.memory_space<vmem>>, %arg34: memref<!tpu.dma_semaphore, #tpu.memory_space<semaphore_mem>>) attributes {dimension_semantics = [#tpu.dimension_semantics<core_parallel>, #tpu.dimension_semantics<subcore_parallel>], iteration_bounds = array<i64: 1, 1>, scalar_prefetch = 0 : i64, scratch_operands = 2 : i64, tpu.core_type = #tpu.core_type<sc_vector_subcore>, window_params = [{transform_indices = #map}, {transform_indices = #map}, {transform_indices = #map}, {transform_indices = #map}, {transform_indices = #map}, {transform_indices = #map}, {transform_indices = #map}, {transform_indices = #map}, {transform_indices = #map}, {transform_indices = #map}, {transform_indices = #map}, {transform_indices = #map}, {transform_indices = #map}, {transform_indices = #map}, {transform_indices = #map}, {transform_indices = #map}, {transform_indices = #map}, {transform_indices = #map}, {transform_indices = #map}, {transform_indices = #map}, {transform_indices = #map}, {transform_indices = #map}, {transform_indices = #map}, {transform_indices = #map}, {transform_indices = #map}, {transform_indices = #map}, {transform_indices = #map}, {transform_indices = #map}, {transform_indices = #map}, {transform_indices = #map}, {transform_indices = #map}]} {
    %dma_start3A = arith.constant 0 : i32
    %dma_start3A_0 = tpu.memref_slice %arg33[%dma_start3A] : memref<1520xf32, #tpu.memory_space<vmem>> -> memref<261xf32, #tpu.memory_space<vmem>>
    %dma_start3A_1 = arith.constant 0 : i32
    %dma_start3A_2 = tpu.memref_slice %arg33[%dma_start3A_1] : memref<1520xf32, #tpu.memory_space<vmem>> -> memref<261xf32, #tpu.memory_space<vmem>>
    tpu.enqueue_dma source(%arg2 : memref<261xf32, #tpu.memory_space<hbm>>) target(%dma_start3A_2 : memref<261xf32, #tpu.memory_space<vmem>>) target_semaphore(%arg34 : memref<!tpu.dma_semaphore, #tpu.memory_space<semaphore_mem>>)
    %dma_start3A_3 = arith.constant 272 : i32
    %dma_start3A_4 = tpu.memref_slice %arg33[%dma_start3A_3] : memref<1520xf32, #tpu.memory_space<vmem>> -> memref<261xf32, #tpu.memory_space<vmem>>
    %dma_start3A_5 = arith.constant 272 : i32
    %dma_start3A_6 = tpu.memref_slice %arg33[%dma_start3A_5] : memref<1520xf32, #tpu.memory_space<vmem>> -> memref<261xf32, #tpu.memory_space<vmem>>
    tpu.enqueue_dma source(%arg3 : memref<261xf32, #tpu.memory_space<hbm>>) target(%dma_start3A_6 : memref<261xf32, #tpu.memory_space<vmem>>) target_semaphore(%arg34 : memref<!tpu.dma_semaphore, #tpu.memory_space<semaphore_mem>>)
    %dma_start3A_7 = arith.constant 544 : i32
    %dma_start3A_8 = tpu.memref_slice %arg33[%dma_start3A_7] : memref<1520xf32, #tpu.memory_space<vmem>> -> memref<133xf32, #tpu.memory_space<vmem>>
    %dma_start3A_9 = arith.constant 544 : i32
    %dma_start3A_10 = tpu.memref_slice %arg33[%dma_start3A_9] : memref<1520xf32, #tpu.memory_space<vmem>> -> memref<133xf32, #tpu.memory_space<vmem>>
    tpu.enqueue_dma source(%arg4 : memref<133xf32, #tpu.memory_space<hbm>>) target(%dma_start3A_10 : memref<133xf32, #tpu.memory_space<vmem>>) target_semaphore(%arg34 : memref<!tpu.dma_semaphore, #tpu.memory_space<semaphore_mem>>)
    %dma_start3A_11 = arith.constant 688 : i32
    %dma_start3A_12 = tpu.memref_slice %arg33[%dma_start3A_11] : memref<1520xf32, #tpu.memory_space<vmem>> -> memref<133xf32, #tpu.memory_space<vmem>>
    %dma_start3A_13 = arith.constant 688 : i32
    %dma_start3A_14 = tpu.memref_slice %arg33[%dma_start3A_13] : memref<1520xf32, #tpu.memory_space<vmem>> -> memref<133xf32, #tpu.memory_space<vmem>>
    tpu.enqueue_dma source(%arg5 : memref<133xf32, #tpu.memory_space<hbm>>) target(%dma_start3A_14 : memref<133xf32, #tpu.memory_space<vmem>>) target_semaphore(%arg34 : memref<!tpu.dma_semaphore, #tpu.memory_space<semaphore_mem>>)
    %dma_start3A_15 = arith.constant 832 : i32
    %dma_start3A_16 = tpu.memref_slice %arg33[%dma_start3A_15] : memref<1520xf32, #tpu.memory_space<vmem>> -> memref<69xf32, #tpu.memory_space<vmem>>
    %dma_start3A_17 = arith.constant 832 : i32
    %dma_start3A_18 = tpu.memref_slice %arg33[%dma_start3A_17] : memref<1520xf32, #tpu.memory_space<vmem>> -> memref<69xf32, #tpu.memory_space<vmem>>
    tpu.enqueue_dma source(%arg6 : memref<69xf32, #tpu.memory_space<hbm>>) target(%dma_start3A_18 : memref<69xf32, #tpu.memory_space<vmem>>) target_semaphore(%arg34 : memref<!tpu.dma_semaphore, #tpu.memory_space<semaphore_mem>>)
    %dma_start3A_19 = arith.constant 912 : i32
    %dma_start3A_20 = tpu.memref_slice %arg33[%dma_start3A_19] : memref<1520xf32, #tpu.memory_space<vmem>> -> memref<69xf32, #tpu.memory_space<vmem>>
    %dma_start3A_21 = arith.constant 912 : i32
    %dma_start3A_22 = tpu.memref_slice %arg33[%dma_start3A_21] : memref<1520xf32, #tpu.memory_space<vmem>> -> memref<69xf32, #tpu.memory_space<vmem>>
    tpu.enqueue_dma source(%arg7 : memref<69xf32, #tpu.memory_space<hbm>>) target(%dma_start3A_22 : memref<69xf32, #tpu.memory_space<vmem>>) target_semaphore(%arg34 : memref<!tpu.dma_semaphore, #tpu.memory_space<semaphore_mem>>)
    %dma_start3A_23 = arith.constant 992 : i32
    %dma_start3A_24 = tpu.memref_slice %arg33[%dma_start3A_23] : memref<1520xf32, #tpu.memory_space<vmem>> -> memref<69xf32, #tpu.memory_space<vmem>>
    %dma_start3A_25 = arith.constant 992 : i32
    %dma_start3A_26 = tpu.memref_slice %arg33[%dma_start3A_25] : memref<1520xf32, #tpu.memory_space<vmem>> -> memref<69xf32, #tpu.memory_space<vmem>>
    tpu.enqueue_dma source(%arg8 : memref<69xf32, #tpu.memory_space<hbm>>) target(%dma_start3A_26 : memref<69xf32, #tpu.memory_space<vmem>>) target_semaphore(%arg34 : memref<!tpu.dma_semaphore, #tpu.memory_space<semaphore_mem>>)
    %dma_start3A_27 = arith.constant 1072 : i32
    %dma_start3A_28 = tpu.memref_slice %arg33[%dma_start3A_27] : memref<1520xf32, #tpu.memory_space<vmem>> -> memref<69xf32, #tpu.memory_space<vmem>>
    %dma_start3A_29 = arith.constant 1072 : i32
    %dma_start3A_30 = tpu.memref_slice %arg33[%dma_start3A_29] : memref<1520xf32, #tpu.memory_space<vmem>> -> memref<69xf32, #tpu.memory_space<vmem>>
    tpu.enqueue_dma source(%arg9 : memref<69xf32, #tpu.memory_space<hbm>>) target(%dma_start3A_30 : memref<69xf32, #tpu.memory_space<vmem>>) target_semaphore(%arg34 : memref<!tpu.dma_semaphore, #tpu.memory_space<semaphore_mem>>)
    %dma_start3A_31 = arith.constant 1152 : i32
    %dma_start3A_32 = tpu.memref_slice %arg33[%dma_start3A_31] : memref<1520xf32, #tpu.memory_space<vmem>> -> memref<1xf32, #tpu.memory_space<vmem>>
    %dma_start3A_33 = arith.constant 1152 : i32
    %dma_start3A_34 = tpu.memref_slice %arg33[%dma_start3A_33] : memref<1520xf32, #tpu.memory_space<vmem>> -> memref<1xf32, #tpu.memory_space<vmem>>
    tpu.enqueue_dma source(%arg10 : memref<1xf32, #tpu.memory_space<hbm>>) target(%dma_start3A_34 : memref<1xf32, #tpu.memory_space<vmem>>) target_semaphore(%arg34 : memref<!tpu.dma_semaphore, #tpu.memory_space<semaphore_mem>>)
    %dma_start3A_35 = arith.constant 1168 : i32
    %dma_start3A_36 = tpu.memref_slice %arg33[%dma_start3A_35] : memref<1520xf32, #tpu.memory_space<vmem>> -> memref<1xf32, #tpu.memory_space<vmem>>
    %dma_start3A_37 = arith.constant 1168 : i32
    %dma_start3A_38 = tpu.memref_slice %arg33[%dma_start3A_37] : memref<1520xf32, #tpu.memory_space<vmem>> -> memref<1xf32, #tpu.memory_space<vmem>>
    tpu.enqueue_dma source(%arg11 : memref<1xf32, #tpu.memory_space<hbm>>) target(%dma_start3A_38 : memref<1xf32, #tpu.memory_space<vmem>>) target_semaphore(%arg34 : memref<!tpu.dma_semaphore, #tpu.memory_space<semaphore_mem>>)
    %dma_start3A_39 = arith.constant 1184 : i32
    %dma_start3A_40 = tpu.memref_slice %arg33[%dma_start3A_39] : memref<1520xf32, #tpu.memory_space<vmem>> -> memref<1xf32, #tpu.memory_space<vmem>>
    %dma_start3A_41 = arith.constant 1184 : i32
    %dma_start3A_42 = tpu.memref_slice %arg33[%dma_start3A_41] : memref<1520xf32, #tpu.memory_space<vmem>> -> memref<1xf32, #tpu.memory_space<vmem>>
    tpu.enqueue_dma source(%arg12 : memref<1xf32, #tpu.memory_space<hbm>>) target(%dma_start3A_42 : memref<1xf32, #tpu.memory_space<vmem>>) target_semaphore(%arg34 : memref<!tpu.dma_semaphore, #tpu.memory_space<semaphore_mem>>)
    %dma_start3A_43 = arith.constant 1200 : i32
    %dma_start3A_44 = tpu.memref_slice %arg33[%dma_start3A_43] : memref<1520xf32, #tpu.memory_space<vmem>> -> memref<1xf32, #tpu.memory_space<vmem>>
    %dma_start3A_45 = arith.constant 1200 : i32
    %dma_start3A_46 = tpu.memref_slice %arg33[%dma_start3A_45] : memref<1520xf32, #tpu.memory_space<vmem>> -> memref<1xf32, #tpu.memory_space<vmem>>
    tpu.enqueue_dma source(%arg13 : memref<1xf32, #tpu.memory_space<hbm>>) target(%dma_start3A_46 : memref<1xf32, #tpu.memory_space<vmem>>) target_semaphore(%arg34 : memref<!tpu.dma_semaphore, #tpu.memory_space<semaphore_mem>>)
    %dma_start3A_47 = arith.constant 1216 : i32
    %dma_start3A_48 = tpu.memref_slice %arg33[%dma_start3A_47] : memref<1520xf32, #tpu.memory_space<vmem>> -> memref<1xf32, #tpu.memory_space<vmem>>
    %dma_start3A_49 = arith.constant 1216 : i32
    %dma_start3A_50 = tpu.memref_slice %arg33[%dma_start3A_49] : memref<1520xf32, #tpu.memory_space<vmem>> -> memref<1xf32, #tpu.memory_space<vmem>>
    tpu.enqueue_dma source(%arg14 : memref<1xf32, #tpu.memory_space<hbm>>) target(%dma_start3A_50 : memref<1xf32, #tpu.memory_space<vmem>>) target_semaphore(%arg34 : memref<!tpu.dma_semaphore, #tpu.memory_space<semaphore_mem>>)
    %dma_start3A_51 = arith.constant 1232 : i32
    %dma_start3A_52 = tpu.memref_slice %arg33[%dma_start3A_51] : memref<1520xf32, #tpu.memory_space<vmem>> -> memref<1xf32, #tpu.memory_space<vmem>>
    %dma_start3A_53 = arith.constant 1232 : i32
    %dma_start3A_54 = tpu.memref_slice %arg33[%dma_start3A_53] : memref<1520xf32, #tpu.memory_space<vmem>> -> memref<1xf32, #tpu.memory_space<vmem>>
    tpu.enqueue_dma source(%arg15 : memref<1xf32, #tpu.memory_space<hbm>>) target(%dma_start3A_54 : memref<1xf32, #tpu.memory_space<vmem>>) target_semaphore(%arg34 : memref<!tpu.dma_semaphore, #tpu.memory_space<semaphore_mem>>)
    %dma_start3A_55 = arith.constant 1248 : i32
    %dma_start3A_56 = tpu.memref_slice %arg33[%dma_start3A_55] : memref<1520xf32, #tpu.memory_space<vmem>> -> memref<1xf32, #tpu.memory_space<vmem>>
    %dma_start3A_57 = arith.constant 1248 : i32
    %dma_start3A_58 = tpu.memref_slice %arg33[%dma_start3A_57] : memref<1520xf32, #tpu.memory_space<vmem>> -> memref<1xf32, #tpu.memory_space<vmem>>
    tpu.enqueue_dma source(%arg16 : memref<1xf32, #tpu.memory_space<hbm>>) target(%dma_start3A_58 : memref<1xf32, #tpu.memory_space<vmem>>) target_semaphore(%arg34 : memref<!tpu.dma_semaphore, #tpu.memory_space<semaphore_mem>>)
    %dma_start3A_59 = arith.constant 1264 : i32
    %dma_start3A_60 = tpu.memref_slice %arg33[%dma_start3A_59] : memref<1520xf32, #tpu.memory_space<vmem>> -> memref<1xf32, #tpu.memory_space<vmem>>
    %dma_start3A_61 = arith.constant 1264 : i32
    %dma_start3A_62 = tpu.memref_slice %arg33[%dma_start3A_61] : memref<1520xf32, #tpu.memory_space<vmem>> -> memref<1xf32, #tpu.memory_space<vmem>>
    tpu.enqueue_dma source(%arg17 : memref<1xf32, #tpu.memory_space<hbm>>) target(%dma_start3A_62 : memref<1xf32, #tpu.memory_space<vmem>>) target_semaphore(%arg34 : memref<!tpu.dma_semaphore, #tpu.memory_space<semaphore_mem>>)
    %dma_start3A_63 = arith.constant 1280 : i32
    %dma_start3A_64 = tpu.memref_slice %arg33[%dma_start3A_63] : memref<1520xf32, #tpu.memory_space<vmem>> -> memref<1xf32, #tpu.memory_space<vmem>>
    %dma_start3A_65 = arith.constant 1280 : i32
    %dma_start3A_66 = tpu.memref_slice %arg33[%dma_start3A_65] : memref<1520xf32, #tpu.memory_space<vmem>> -> memref<1xf32, #tpu.memory_space<vmem>>
    tpu.enqueue_dma source(%arg18 : memref<1xf32, #tpu.memory_space<hbm>>) target(%dma_start3A_66 : memref<1xf32, #tpu.memory_space<vmem>>) target_semaphore(%arg34 : memref<!tpu.dma_semaphore, #tpu.memory_space<semaphore_mem>>)
    %dma_start3A_67 = arith.constant 1296 : i32
    %dma_start3A_68 = tpu.memref_slice %arg33[%dma_start3A_67] : memref<1520xf32, #tpu.memory_space<vmem>> -> memref<1xf32, #tpu.memory_space<vmem>>
    %dma_start3A_69 = arith.constant 1296 : i32
    %dma_start3A_70 = tpu.memref_slice %arg33[%dma_start3A_69] : memref<1520xf32, #tpu.memory_space<vmem>> -> memref<1xf32, #tpu.memory_space<vmem>>
    tpu.enqueue_dma source(%arg19 : memref<1xf32, #tpu.memory_space<hbm>>) target(%dma_start3A_70 : memref<1xf32, #tpu.memory_space<vmem>>) target_semaphore(%arg34 : memref<!tpu.dma_semaphore, #tpu.memory_space<semaphore_mem>>)
    %dma_start3A_71 = arith.constant 1312 : i32
    %dma_start3A_72 = tpu.memref_slice %arg33[%dma_start3A_71] : memref<1520xf32, #tpu.memory_space<vmem>> -> memref<1xf32, #tpu.memory_space<vmem>>
    %dma_start3A_73 = arith.constant 1312 : i32
    %dma_start3A_74 = tpu.memref_slice %arg33[%dma_start3A_73] : memref<1520xf32, #tpu.memory_space<vmem>> -> memref<1xf32, #tpu.memory_space<vmem>>
    tpu.enqueue_dma source(%arg20 : memref<1xf32, #tpu.memory_space<hbm>>) target(%dma_start3A_74 : memref<1xf32, #tpu.memory_space<vmem>>) target_semaphore(%arg34 : memref<!tpu.dma_semaphore, #tpu.memory_space<semaphore_mem>>)
    %dma_start3A_75 = arith.constant 1328 : i32
    %dma_start3A_76 = tpu.memref_slice %arg33[%dma_start3A_75] : memref<1520xf32, #tpu.memory_space<vmem>> -> memref<1xf32, #tpu.memory_space<vmem>>
    %dma_start3A_77 = arith.constant 1328 : i32
    %dma_start3A_78 = tpu.memref_slice %arg33[%dma_start3A_77] : memref<1520xf32, #tpu.memory_space<vmem>> -> memref<1xf32, #tpu.memory_space<vmem>>
    tpu.enqueue_dma source(%arg21 : memref<1xf32, #tpu.memory_space<hbm>>) target(%dma_start3A_78 : memref<1xf32, #tpu.memory_space<vmem>>) target_semaphore(%arg34 : memref<!tpu.dma_semaphore, #tpu.memory_space<semaphore_mem>>)
    %dma_start3A_79 = arith.constant 1344 : i32
    %dma_start3A_80 = tpu.memref_slice %arg33[%dma_start3A_79] : memref<1520xf32, #tpu.memory_space<vmem>> -> memref<1xf32, #tpu.memory_space<vmem>>
    %dma_start3A_81 = arith.constant 1344 : i32
    %dma_start3A_82 = tpu.memref_slice %arg33[%dma_start3A_81] : memref<1520xf32, #tpu.memory_space<vmem>> -> memref<1xf32, #tpu.memory_space<vmem>>
    tpu.enqueue_dma source(%arg22 : memref<1xf32, #tpu.memory_space<hbm>>) target(%dma_start3A_82 : memref<1xf32, #tpu.memory_space<vmem>>) target_semaphore(%arg34 : memref<!tpu.dma_semaphore, #tpu.memory_space<semaphore_mem>>)
    %dma_start3A_83 = arith.constant 1360 : i32
    %dma_start3A_84 = tpu.memref_slice %arg33[%dma_start3A_83] : memref<1520xf32, #tpu.memory_space<vmem>> -> memref<1xf32, #tpu.memory_space<vmem>>
    %dma_start3A_85 = arith.constant 1360 : i32
    %dma_start3A_86 = tpu.memref_slice %arg33[%dma_start3A_85] : memref<1520xf32, #tpu.memory_space<vmem>> -> memref<1xf32, #tpu.memory_space<vmem>>
    tpu.enqueue_dma source(%arg23 : memref<1xf32, #tpu.memory_space<hbm>>) target(%dma_start3A_86 : memref<1xf32, #tpu.memory_space<vmem>>) target_semaphore(%arg34 : memref<!tpu.dma_semaphore, #tpu.memory_space<semaphore_mem>>)
    %dma_start3A_87 = arith.constant 1376 : i32
    %dma_start3A_88 = tpu.memref_slice %arg33[%dma_start3A_87] : memref<1520xf32, #tpu.memory_space<vmem>> -> memref<8xf32, #tpu.memory_space<vmem>>
    %dma_start3A_89 = arith.constant 1376 : i32
    %dma_start3A_90 = tpu.memref_slice %arg33[%dma_start3A_89] : memref<1520xf32, #tpu.memory_space<vmem>> -> memref<8xf32, #tpu.memory_space<vmem>>
    tpu.enqueue_dma source(%arg24 : memref<8xf32, #tpu.memory_space<hbm>>) target(%dma_start3A_90 : memref<8xf32, #tpu.memory_space<vmem>>) target_semaphore(%arg34 : memref<!tpu.dma_semaphore, #tpu.memory_space<semaphore_mem>>)
    %dma_start3A_91 = arith.constant 1392 : i32
    %dma_start3A_92 = tpu.memref_slice %arg33[%dma_start3A_91] : memref<1520xf32, #tpu.memory_space<vmem>> -> memref<8xf32, #tpu.memory_space<vmem>>
    %dma_start3A_93 = arith.constant 1392 : i32
    %dma_start3A_94 = tpu.memref_slice %arg33[%dma_start3A_93] : memref<1520xf32, #tpu.memory_space<vmem>> -> memref<8xf32, #tpu.memory_space<vmem>>
    tpu.enqueue_dma source(%arg25 : memref<8xf32, #tpu.memory_space<hbm>>) target(%dma_start3A_94 : memref<8xf32, #tpu.memory_space<vmem>>) target_semaphore(%arg34 : memref<!tpu.dma_semaphore, #tpu.memory_space<semaphore_mem>>)
    %dma_start3A_95 = arith.constant 1408 : i32
    %dma_start3A_96 = tpu.memref_slice %arg33[%dma_start3A_95] : memref<1520xf32, #tpu.memory_space<vmem>> -> memref<8xf32, #tpu.memory_space<vmem>>
    %dma_start3A_97 = arith.constant 1408 : i32
    %dma_start3A_98 = tpu.memref_slice %arg33[%dma_start3A_97] : memref<1520xf32, #tpu.memory_space<vmem>> -> memref<8xf32, #tpu.memory_space<vmem>>
    tpu.enqueue_dma source(%arg26 : memref<8xf32, #tpu.memory_space<hbm>>) target(%dma_start3A_98 : memref<8xf32, #tpu.memory_space<vmem>>) target_semaphore(%arg34 : memref<!tpu.dma_semaphore, #tpu.memory_space<semaphore_mem>>)
    %dma_start3A_99 = arith.constant 1424 : i32
    %dma_start3A_100 = tpu.memref_slice %arg33[%dma_start3A_99] : memref<1520xf32, #tpu.memory_space<vmem>> -> memref<8xf32, #tpu.memory_space<vmem>>
    %dma_start3A_101 = arith.constant 1424 : i32
    %dma_start3A_102 = tpu.memref_slice %arg33[%dma_start3A_101] : memref<1520xf32, #tpu.memory_space<vmem>> -> memref<8xf32, #tpu.memory_space<vmem>>
    tpu.enqueue_dma source(%arg27 : memref<8xf32, #tpu.memory_space<hbm>>) target(%dma_start3A_102 : memref<8xf32, #tpu.memory_space<vmem>>) target_semaphore(%arg34 : memref<!tpu.dma_semaphore, #tpu.memory_space<semaphore_mem>>)
    %dma_start3A_103 = arith.constant 1440 : i32
    %dma_start3A_104 = tpu.memref_slice %arg33[%dma_start3A_103] : memref<1520xf32, #tpu.memory_space<vmem>> -> memref<8xf32, #tpu.memory_space<vmem>>
    %dma_start3A_105 = arith.constant 1440 : i32
    %dma_start3A_106 = tpu.memref_slice %arg33[%dma_start3A_105] : memref<1520xf32, #tpu.memory_space<vmem>> -> memref<8xf32, #tpu.memory_space<vmem>>
    tpu.enqueue_dma source(%arg28 : memref<8xf32, #tpu.memory_space<hbm>>) target(%dma_start3A_106 : memref<8xf32, #tpu.memory_space<vmem>>) target_semaphore(%arg34 : memref<!tpu.dma_semaphore, #tpu.memory_space<semaphore_mem>>)
    %dma_start3A_107 = arith.constant 1456 : i32
    %dma_start3A_108 = tpu.memref_slice %arg33[%dma_start3A_107] : memref<1520xf32, #tpu.memory_space<vmem>> -> memref<8xf32, #tpu.memory_space<vmem>>
    %dma_start3A_109 = arith.constant 1456 : i32
    %dma_start3A_110 = tpu.memref_slice %arg33[%dma_start3A_109] : memref<1520xf32, #tpu.memory_space<vmem>> -> memref<8xf32, #tpu.memory_space<vmem>>
    tpu.enqueue_dma source(%arg29 : memref<8xf32, #tpu.memory_space<hbm>>) target(%dma_start3A_110 : memref<8xf32, #tpu.memory_space<vmem>>) target_semaphore(%arg34 : memref<!tpu.dma_semaphore, #tpu.memory_space<semaphore_mem>>)
    %dma_start3A_111 = arith.constant 1472 : i32
    %dma_start3A_112 = tpu.memref_slice %arg33[%dma_start3A_111] : memref<1520xf32, #tpu.memory_space<vmem>> -> memref<8xf32, #tpu.memory_space<vmem>>
    %dma_start3A_113 = arith.constant 1472 : i32
    %dma_start3A_114 = tpu.memref_slice %arg33[%dma_start3A_113] : memref<1520xf32, #tpu.memory_space<vmem>> -> memref<8xf32, #tpu.memory_space<vmem>>
    tpu.enqueue_dma source(%arg30 : memref<8xf32, #tpu.memory_space<hbm>>) target(%dma_start3A_114 : memref<8xf32, #tpu.memory_space<vmem>>) target_semaphore(%arg34 : memref<!tpu.dma_semaphore, #tpu.memory_space<semaphore_mem>>)
    %dma_start3A_115 = arith.constant 1488 : i32
    %dma_start3A_116 = tpu.memref_slice %arg33[%dma_start3A_115] : memref<1520xf32, #tpu.memory_space<vmem>> -> memref<8xf32, #tpu.memory_space<vmem>>
    %dma_start3A_117 = arith.constant 1488 : i32
    %dma_start3A_118 = tpu.memref_slice %arg33[%dma_start3A_117] : memref<1520xf32, #tpu.memory_space<vmem>> -> memref<8xf32, #tpu.memory_space<vmem>>
    tpu.enqueue_dma source(%arg31 : memref<8xf32, #tpu.memory_space<hbm>>) target(%dma_start3A_118 : memref<8xf32, #tpu.memory_space<vmem>>) target_semaphore(%arg34 : memref<!tpu.dma_semaphore, #tpu.memory_space<semaphore_mem>>)
    %dma_wait3A = arith.constant 0 : i32
    %dma_wait3A_119 = tpu.memref_slice %arg33[%dma_wait3A] : memref<1520xf32, #tpu.memory_space<vmem>> -> memref<261xf32, #tpu.memory_space<vmem>>
    %dma_wait3A_120 = arith.constant 0 : i32
    %dma_wait3A_121 = tpu.memref_slice %arg33[%dma_wait3A_120] : memref<1520xf32, #tpu.memory_space<vmem>> -> memref<261xf32, #tpu.memory_space<vmem>>
    tpu.wait_dma2 semaphore(%arg34 : memref<!tpu.dma_semaphore, #tpu.memory_space<semaphore_mem>>) src(%arg2 : memref<261xf32, #tpu.memory_space<hbm>>) dst(%dma_wait3A_121 : memref<261xf32, #tpu.memory_space<vmem>>)
    %dma_wait3A_122 = arith.constant 0 : i32
    %dma_wait3A_123 = tpu.memref_slice %arg33[%dma_wait3A_122] : memref<1520xf32, #tpu.memory_space<vmem>> -> memref<261xf32, #tpu.memory_space<vmem>>
    %dma_wait3A_124 = arith.constant 0 : i32
    %dma_wait3A_125 = tpu.memref_slice %arg33[%dma_wait3A_124] : memref<1520xf32, #tpu.memory_space<vmem>> -> memref<261xf32, #tpu.memory_space<vmem>>
    tpu.wait_dma2 semaphore(%arg34 : memref<!tpu.dma_semaphore, #tpu.memory_space<semaphore_mem>>) src(%arg2 : memref<261xf32, #tpu.memory_space<hbm>>) dst(%dma_wait3A_125 : memref<261xf32, #tpu.memory_space<vmem>>)
    %dma_wait3A_126 = arith.constant 0 : i32
    %dma_wait3A_127 = tpu.memref_slice %arg33[%dma_wait3A_126] : memref<1520xf32, #tpu.memory_space<vmem>> -> memref<261xf32, #tpu.memory_space<vmem>>
    %dma_wait3A_128 = arith.constant 0 : i32
    %dma_wait3A_129 = tpu.memref_slice %arg33[%dma_wait3A_128] : memref<1520xf32, #tpu.memory_space<vmem>> -> memref<261xf32, #tpu.memory_space<vmem>>
    tpu.wait_dma2 semaphore(%arg34 : memref<!tpu.dma_semaphore, #tpu.memory_space<semaphore_mem>>) src(%arg2 : memref<261xf32, #tpu.memory_space<hbm>>) dst(%dma_wait3A_129 : memref<261xf32, #tpu.memory_space<vmem>>)
    %dma_wait3A_130 = arith.constant 0 : i32
    %dma_wait3A_131 = tpu.memref_slice %arg33[%dma_wait3A_130] : memref<1520xf32, #tpu.memory_space<vmem>> -> memref<261xf32, #tpu.memory_space<vmem>>
    %dma_wait3A_132 = arith.constant 0 : i32
    %dma_wait3A_133 = tpu.memref_slice %arg33[%dma_wait3A_132] : memref<1520xf32, #tpu.memory_space<vmem>> -> memref<261xf32, #tpu.memory_space<vmem>>
    tpu.wait_dma2 semaphore(%arg34 : memref<!tpu.dma_semaphore, #tpu.memory_space<semaphore_mem>>) src(%arg2 : memref<261xf32, #tpu.memory_space<hbm>>) dst(%dma_wait3A_133 : memref<261xf32, #tpu.memory_space<vmem>>)
    %dma_wait3A_134 = arith.constant 0 : i32
    %dma_wait3A_135 = tpu.memref_slice %arg33[%dma_wait3A_134] : memref<1520xf32, #tpu.memory_space<vmem>> -> memref<98xf32, #tpu.memory_space<vmem>>
    %dma_wait3A_136 = arith.constant 0 : i32
    %dma_wait3A_137 = tpu.memref_slice %arg2[%dma_wait3A_136] : memref<261xf32, #tpu.memory_space<hbm>> -> memref<98xf32, #tpu.memory_space<hbm>>
    %dma_wait3A_138 = arith.constant 0 : i32
    %dma_wait3A_139 = tpu.memref_slice %arg33[%dma_wait3A_138] : memref<1520xf32, #tpu.memory_space<vmem>> -> memref<98xf32, #tpu.memory_space<vmem>>
    %dma_wait3A_140 = arith.constant 0 : i32
    %dma_wait3A_141 = tpu.memref_slice %arg2[%dma_wait3A_140] : memref<261xf32, #tpu.memory_space<hbm>> -> memref<98xf32, #tpu.memory_space<hbm>>
    tpu.wait_dma2 semaphore(%arg34 : memref<!tpu.dma_semaphore, #tpu.memory_space<semaphore_mem>>) src(%dma_wait3A_141 : memref<98xf32, #tpu.memory_space<hbm>>) dst(%dma_wait3A_139 : memref<98xf32, #tpu.memory_space<vmem>>)
    %iota3A = tpu.iota {dimensions = array<i32: 0>} : vector<16xi32>
    %lt3A = arith.constant 5 : i32
    %lt3A_142 = vector.broadcast %lt3A : i32 to vector<16xi32>
    %lt3A_143 = arith.cmpi slt, %iota3A, %lt3A_142 : vector<16xi32>
    %get3A = arith.constant 0 : index
    %get3A_144 = tpu.vector_load %arg33[%get3A] {strides = array<i32>} : memref<1520xf32, #tpu.memory_space<vmem>>, vector<16xf32>,
    %get3A_145 = arith.constant 16 : index
    %get3A_146 = tpu.vector_load %arg33[%get3A_145] {strides = array<i32>} : memref<1520xf32, #tpu.memory_space<vmem>>, vector<16xf32>,
    %get3A_147 = arith.constant 32 : index
    %get3A_148 = tpu.vector_load %arg33[%get3A_147] {strides = array<i32>} : memref<1520xf32, #tpu.memory_space<vmem>>, vector<16xf32>,
    %get3A_149 = arith.constant 48 : index
    %get3A_150 = tpu.vector_load %arg33[%get3A_149] {strides = array<i32>} : memref<1520xf32, #tpu.memory_space<vmem>>, vector<16xf32>,
    %get3A_151 = arith.constant 64 : index
    %get3A_152 = tpu.vector_load %arg33[%get3A_151] {strides = array<i32>} : memref<1520xf32, #tpu.memory_space<vmem>>, vector<16xf32>,
    %get3A_153 = arith.constant 80 : index
    %get3A_154 = tpu.vector_load %arg33[%get3A_153] {strides = array<i32>} : memref<1520xf32, #tpu.memory_space<vmem>>, vector<16xf32>,
    %get3A_155 = arith.constant 96 : index
    %get3A_156 = tpu.vector_load %arg33[%get3A_155] {strides = array<i32>} : memref<1520xf32, #tpu.memory_space<vmem>>, vector<16xf32>,
    %get3A_157 = arith.constant 112 : index
    %get3A_158 = tpu.vector_load %arg33[%get3A_157] {strides = array<i32>} : memref<1520xf32, #tpu.memory_space<vmem>>, vector<16xf32>,
    %get3A_159 = arith.constant 128 : index
    %get3A_160 = tpu.vector_load %arg33[%get3A_159] {strides = array<i32>} : memref<1520xf32, #tpu.memory_space<vmem>>, vector<16xf32>,
    %get3A_161 = arith.constant 144 : index
    %get3A_162 = tpu.vector_load %arg33[%get3A_161] {strides = array<i32>} : memref<1520xf32, #tpu.memory_space<vmem>>, vector<16xf32>,
    %get3A_163 = arith.constant 160 : index
    %get3A_164 = tpu.vector_load %arg33[%get3A_163] {strides = array<i32>} : memref<1520xf32, #tpu.memory_space<vmem>>, vector<16xf32>,
    %get3A_165 = arith.constant 176 : index
    %get3A_166 = tpu.vector_load %arg33[%get3A_165] {strides = array<i32>} : memref<1520xf32, #tpu.memory_space<vmem>>, vector<16xf32>,
    %get3A_167 = arith.constant 192 : index
    %get3A_168 = tpu.vector_load %arg33[%get3A_167] {strides = array<i32>} : memref<1520xf32, #tpu.memory_space<vmem>>, vector<16xf32>,
    %get3A_169 = arith.constant 208 : index
    %get3A_170 = tpu.vector_load %arg33[%get3A_169] {strides = array<i32>} : memref<1520xf32, #tpu.memory_space<vmem>>, vector<16xf32>,
    %get3A_171 = arith.constant 224 : index
    %get3A_172 = tpu.vector_load %arg33[%get3A_171] {strides = array<i32>} : memref<1520xf32, #tpu.memory_space<vmem>>, vector<16xf32>,
    %get3A_173 = arith.constant 240 : index
    %get3A_174 = tpu.vector_load %arg33[%get3A_173] {strides = array<i32>} : memref<1520xf32, #tpu.memory_space<vmem>>, vector<16xf32>,
    %get3A_175 = arith.constant 256 : index
    %get3A_176 = tpu.vector_load %arg33[%get3A_175] {strides = array<i32>} : memref<1520xf32, #tpu.memory_space<vmem>>, vector<16xf32>,
    %get3A_177 = arith.constant 272 : index
    %get3A_178 = tpu.vector_load %arg33[%get3A_177] {strides = array<i32>} : memref<1520xf32, #tpu.memory_space<vmem>>, vector<16xf32>,
    %mul3A = arith.mulf %get3A_144, %get3A_178 : vector<16xf32>
    %get3A_179 = arith.constant 288 : index
    %get3A_180 = tpu.vector_load %arg33[%get3A_179] {strides = array<i32>} : memref<1520xf32, #tpu.memory_space<vmem>>, vector<16xf32>,
    %mul3A_181 = arith.mulf %get3A_146, %get3A_180 : vector<16xf32>
    %add3A = arith.addf %mul3A, %mul3A_181 : vector<16xf32>
    %get3A_182 = arith.constant 304 : index
    %get3A_183 = tpu.vector_load %arg33[%get3A_182] {strides = array<i32>} : memref<1520xf32, #tpu.memory_space<vmem>>, vector<16xf32>,
    %mul3A_184 = arith.mulf %get3A_148, %get3A_183 : vector<16xf32>
    %add3A_185 = arith.addf %add3A, %mul3A_184 : vector<16xf32>
    %get3A_186 = arith.constant 320 : index
    %get3A_187 = tpu.vector_load %arg33[%get3A_186] {strides = array<i32>} : memref<1520xf32, #tpu.memory_space<vmem>>, vector<16xf32>,
    %mul3A_188 = arith.mulf %get3A_150, %get3A_187 : vector<16xf32>
    %add3A_189 = arith.addf %add3A_185, %mul3A_188 : vector<16xf32>
    %get3A_190 = arith.constant 336 : index
    %get3A_191 = tpu.vector_load %arg33[%get3A_190] {strides = array<i32>} : memref<1520xf32, #tpu.memory_space<vmem>>, vector<16xf32>,
    %mul3A_192 = arith.mulf %get3A_152, %get3A_191 : vector<16xf32>
    %add3A_193 = arith.addf %add3A_189, %mul3A_192 : vector<16xf32>
    %get3A_194 = arith.constant 352 : index
    %get3A_195 = tpu.vector_load %arg33[%get3A_194] {strides = array<i32>} : memref<1520xf32, #tpu.memory_space<vmem>>, vector<16xf32>,
    %mul3A_196 = arith.mulf %get3A_154, %get3A_195 : vector<16xf32>
    %add3A_197 = arith.addf %add3A_193, %mul3A_196 : vector<16xf32>
    %get3A_198 = arith.constant 368 : index
    %get3A_199 = tpu.vector_load %arg33[%get3A_198] {strides = array<i32>} : memref<1520xf32, #tpu.memory_space<vmem>>, vector<16xf32>,
    %mul3A_200 = arith.mulf %get3A_156, %get3A_199 : vector<16xf32>
    %add3A_201 = arith.addf %add3A_197, %mul3A_200 : vector<16xf32>
    %get3A_202 = arith.constant 384 : index
    %get3A_203 = tpu.vector_load %arg33[%get3A_202] {strides = array<i32>} : memref<1520xf32, #tpu.memory_space<vmem>>, vector<16xf32>,
    %mul3A_204 = arith.mulf %get3A_158, %get3A_203 : vector<16xf32>
    %add3A_205 = arith.addf %add3A_201, %mul3A_204 : vector<16xf32>
    %get3A_206 = arith.constant 400 : index
    %get3A_207 = tpu.vector_load %arg33[%get3A_206] {strides = array<i32>} : memref<1520xf32, #tpu.memory_space<vmem>>, vector<16xf32>,
    %mul3A_208 = arith.mulf %get3A_160, %get3A_207 : vector<16xf32>
    %add3A_209 = arith.addf %add3A_205, %mul3A_208 : vector<16xf32>
    %get3A_210 = arith.constant 416 : index
    %get3A_211 = tpu.vector_load %arg33[%get3A_210] {strides = array<i32>} : memref<1520xf32, #tpu.memory_space<vmem>>, vector<16xf32>,
    %mul3A_212 = arith.mulf %get3A_162, %get3A_211 : vector<16xf32>
    %add3A_213 = arith.addf %add3A_209, %mul3A_212 : vector<16xf32>
    %get3A_214 = arith.constant 432 : index
    %get3A_215 = tpu.vector_load %arg33[%get3A_214] {strides = array<i32>} : memref<1520xf32, #tpu.memory_space<vmem>>, vector<16xf32>,
    %mul3A_216 = arith.mulf %get3A_164, %get3A_215 : vector<16xf32>
    %add3A_217 = arith.addf %add3A_213, %mul3A_216 : vector<16xf32>
    %get3A_218 = arith.constant 448 : index
    %get3A_219 = tpu.vector_load %arg33[%get3A_218] {strides = array<i32>} : memref<1520xf32, #tpu.memory_space<vmem>>, vector<16xf32>,
    %mul3A_220 = arith.mulf %get3A_166, %get3A_219 : vector<16xf32>
    %add3A_221 = arith.addf %add3A_217, %mul3A_220 : vector<16xf32>
    %get3A_222 = arith.constant 464 : index
    %get3A_223 = tpu.vector_load %arg33[%get3A_222] {strides = array<i32>} : memref<1520xf32, #tpu.memory_space<vmem>>, vector<16xf32>,
    %mul3A_224 = arith.mulf %get3A_168, %get3A_223 : vector<16xf32>
    %add3A_225 = arith.addf %add3A_221, %mul3A_224 : vector<16xf32>
    %get3A_226 = arith.constant 480 : index
    %get3A_227 = tpu.vector_load %arg33[%get3A_226] {strides = array<i32>} : memref<1520xf32, #tpu.memory_space<vmem>>, vector<16xf32>,
    %mul3A_228 = arith.mulf %get3A_170, %get3A_227 : vector<16xf32>
    %add3A_229 = arith.addf %add3A_225, %mul3A_228 : vector<16xf32>
    %get3A_230 = arith.constant 496 : index
    %get3A_231 = tpu.vector_load %arg33[%get3A_230] {strides = array<i32>} : memref<1520xf32, #tpu.memory_space<vmem>>, vector<16xf32>,
    %mul3A_232 = arith.mulf %get3A_172, %get3A_231 : vector<16xf32>
    %add3A_233 = arith.addf %add3A_229, %mul3A_232 : vector<16xf32>
    %get3A_234 = arith.constant 512 : index
    %get3A_235 = tpu.vector_load %arg33[%get3A_234] {strides = array<i32>} : memref<1520xf32, #tpu.memory_space<vmem>>, vector<16xf32>,
    %mul3A_236 = arith.mulf %get3A_174, %get3A_235 : vector<16xf32>
    %add3A_237 = arith.addf %add3A_233, %mul3A_236 : vector<16xf32>
    %get3A_238 = arith.constant 528 : index
    %get3A_239 = tpu.vector_load %arg33[%get3A_238] {strides = array<i32>} : memref<1520xf32, #tpu.memory_space<vmem>>, vector<16xf32>,
    %mul3A_240 = arith.mulf %get3A_176, %get3A_239 : vector<16xf32>
    %jit3A = arith.constant 0.000000e+00 : f32
    %broadcast_in_dim3A = vector.broadcast %jit3A : f32 to vector<16xf32>
    %select_n3A = arith.select %lt3A_143, %mul3A_240, %broadcast_in_dim3A : vector<16xi1>, vector<16xf32>
    %add3A_241 = arith.addf %add3A_237, %select_n3A : vector<16xf32>
    %get3A_242 = arith.constant 544 : index
    %get3A_243 = tpu.vector_load %arg33[%get3A_242] {strides = array<i32>} : memref<1520xf32, #tpu.memory_space<vmem>>, vector<16xf32>,
    %mul3A_244 = arith.mulf %get3A_144, %get3A_243 : vector<16xf32>
    %get3A_245 = arith.constant 560 : index
    %get3A_246 = tpu.vector_load %arg33[%get3A_245] {strides = array<i32>} : memref<1520xf32, #tpu.memory_space<vmem>>, vector<16xf32>,
    %mul3A_247 = arith.mulf %get3A_146, %get3A_246 : vector<16xf32>
    %add3A_248 = arith.addf %mul3A_244, %mul3A_247 : vector<16xf32>
    %get3A_249 = arith.constant 576 : index
    %get3A_250 = tpu.vector_load %arg33[%get3A_249] {strides = array<i32>} : memref<1520xf32, #tpu.memory_space<vmem>>, vector<16xf32>,
    %mul3A_251 = arith.mulf %get3A_148, %get3A_250 : vector<16xf32>
    %add3A_252 = arith.addf %add3A_248, %mul3A_251 : vector<16xf32>
    %get3A_253 = arith.constant 592 : index
    %get3A_254 = tpu.vector_load %arg33[%get3A_253] {strides = array<i32>} : memref<1520xf32, #tpu.memory_space<vmem>>, vector<16xf32>,
    %mul3A_255 = arith.mulf %get3A_150, %get3A_254 : vector<16xf32>
    %add3A_256 = arith.addf %add3A_252, %mul3A_255 : vector<16xf32>
    %get3A_257 = arith.constant 608 : index
    %get3A_258 = tpu.vector_load %arg33[%get3A_257] {strides = array<i32>} : memref<1520xf32, #tpu.memory_space<vmem>>, vector<16xf32>,
    %mul3A_259 = arith.mulf %get3A_152, %get3A_258 : vector<16xf32>
    %add3A_260 = arith.addf %add3A_256, %mul3A_259 : vector<16xf32>
    %get3A_261 = arith.constant 624 : index
    %get3A_262 = tpu.vector_load %arg33[%get3A_261] {strides = array<i32>} : memref<1520xf32, #tpu.memory_space<vmem>>, vector<16xf32>,
    %mul3A_263 = arith.mulf %get3A_154, %get3A_262 : vector<16xf32>
    %add3A_264 = arith.addf %add3A_260, %mul3A_263 : vector<16xf32>
    %get3A_265 = arith.constant 640 : index
    %get3A_266 = tpu.vector_load %arg33[%get3A_265] {strides = array<i32>} : memref<1520xf32, #tpu.memory_space<vmem>>, vector<16xf32>,
    %mul3A_267 = arith.mulf %get3A_156, %get3A_266 : vector<16xf32>
    %add3A_268 = arith.addf %add3A_264, %mul3A_267 : vector<16xf32>
    %get3A_269 = arith.constant 656 : index
    %get3A_270 = tpu.vector_load %arg33[%get3A_269] {strides = array<i32>} : memref<1520xf32, #tpu.memory_space<vmem>>, vector<16xf32>,
    %mul3A_271 = arith.mulf %get3A_158, %get3A_270 : vector<16xf32>
    %add3A_272 = arith.addf %add3A_268, %mul3A_271 : vector<16xf32>
    %get3A_273 = arith.constant 672 : index
    %get3A_274 = tpu.vector_load %arg33[%get3A_273] {strides = array<i32>} : memref<1520xf32, #tpu.memory_space<vmem>>, vector<16xf32>,
    %mul3A_275 = arith.mulf %get3A_160, %get3A_274 : vector<16xf32>
    %jit3A_276 = arith.constant 0.000000e+00 : f32
    %broadcast_in_dim3A_277 = vector.broadcast %jit3A_276 : f32 to vector<16xf32>
    %select_n3A_278 = arith.select %lt3A_143, %mul3A_275, %broadcast_in_dim3A_277 : vector<16xi1>, vector<16xf32>
    %add3A_279 = arith.addf %add3A_272, %select_n3A_278 : vector<16xf32>
    %select_n3A_280 = arith.select %lt3A_143, %get3A_144, %get3A_160 : vector<16xi1>, vector<16xf32>
    %get3A_281 = arith.constant 688 : index
    %get3A_282 = tpu.vector_load %arg33[%get3A_281] {strides = array<i32>} : memref<1520xf32, #tpu.memory_space<vmem>>, vector<16xf32>,
    %mul3A_283 = arith.mulf %select_n3A_280, %get3A_282 : vector<16xf32>
    %get3A_284 = arith.constant 704 : index
    %get3A_285 = tpu.vector_load %arg33[%get3A_284] {strides = array<i32>} : memref<1520xf32, #tpu.memory_space<vmem>>, vector<16xf32>,
    %mul3A_286 = arith.mulf %get3A_162, %get3A_285 : vector<16xf32>
    %add3A_287 = arith.addf %mul3A_283, %mul3A_286 : vector<16xf32>
    %get3A_288 = arith.constant 720 : index
    %get3A_289 = tpu.vector_load %arg33[%get3A_288] {strides = array<i32>} : memref<1520xf32, #tpu.memory_space<vmem>>, vector<16xf32>,
    %mul3A_290 = arith.mulf %get3A_164, %get3A_289 : vector<16xf32>
    %add3A_291 = arith.addf %add3A_287, %mul3A_290 : vector<16xf32>
    %get3A_292 = arith.constant 736 : index
    %get3A_293 = tpu.vector_load %arg33[%get3A_292] {strides = array<i32>} : memref<1520xf32, #tpu.memory_space<vmem>>, vector<16xf32>,
    %mul3A_294 = arith.mulf %get3A_166, %get3A_293 : vector<16xf32>
    %add3A_295 = arith.addf %add3A_291, %mul3A_294 : vector<16xf32>
    %get3A_296 = arith.constant 752 : index
    %get3A_297 = tpu.vector_load %arg33[%get3A_296] {strides = array<i32>} : memref<1520xf32, #tpu.memory_space<vmem>>, vector<16xf32>,
    %mul3A_298 = arith.mulf %get3A_168, %get3A_297 : vector<16xf32>
    %add3A_299 = arith.addf %add3A_295, %mul3A_298 : vector<16xf32>
    %get3A_300 = arith.constant 768 : index
    %get3A_301 = tpu.vector_load %arg33[%get3A_300] {strides = array<i32>} : memref<1520xf32, #tpu.memory_space<vmem>>, vector<16xf32>,
    %mul3A_302 = arith.mulf %get3A_170, %get3A_301 : vector<16xf32>
    %add3A_303 = arith.addf %add3A_299, %mul3A_302 : vector<16xf32>
    %get3A_304 = arith.constant 784 : index
    %get3A_305 = tpu.vector_load %arg33[%get3A_304] {strides = array<i32>} : memref<1520xf32, #tpu.memory_space<vmem>>, vector<16xf32>,
    %mul3A_306 = arith.mulf %get3A_172, %get3A_305 : vector<16xf32>
    %add3A_307 = arith.addf %add3A_303, %mul3A_306 : vector<16xf32>
    %get3A_308 = arith.constant 800 : index
    %get3A_309 = tpu.vector_load %arg33[%get3A_308] {strides = array<i32>} : memref<1520xf32, #tpu.memory_space<vmem>>, vector<16xf32>,
    %mul3A_310 = arith.mulf %get3A_174, %get3A_309 : vector<16xf32>
    %add3A_311 = arith.addf %add3A_307, %mul3A_310 : vector<16xf32>
    %get3A_312 = arith.constant 816 : index
    %get3A_313 = tpu.vector_load %arg33[%get3A_312] {strides = array<i32>} : memref<1520xf32, #tpu.memory_space<vmem>>, vector<16xf32>,
    %mul3A_314 = arith.mulf %get3A_176, %get3A_313 : vector<16xf32>
    %jit3A_315 = arith.constant 0.000000e+00 : f32
    %broadcast_in_dim3A_316 = vector.broadcast %jit3A_315 : f32 to vector<16xf32>
    %select_n3A_317 = arith.select %lt3A_143, %mul3A_314, %broadcast_in_dim3A_316 : vector<16xi1>, vector<16xf32>
    %add3A_318 = arith.addf %add3A_311, %select_n3A_317 : vector<16xf32>
    %get3A_319 = arith.constant 832 : index
    %get3A_320 = tpu.vector_load %arg33[%get3A_319] {strides = array<i32>} : memref<1520xf32, #tpu.memory_space<vmem>>, vector<16xf32>,
    %mul3A_321 = arith.mulf %get3A_144, %get3A_320 : vector<16xf32>
    %get3A_322 = arith.constant 848 : index
    %get3A_323 = tpu.vector_load %arg33[%get3A_322] {strides = array<i32>} : memref<1520xf32, #tpu.memory_space<vmem>>, vector<16xf32>,
    %mul3A_324 = arith.mulf %get3A_146, %get3A_323 : vector<16xf32>
    %add3A_325 = arith.addf %mul3A_321, %mul3A_324 : vector<16xf32>
    %get3A_326 = arith.constant 864 : index
    %get3A_327 = tpu.vector_load %arg33[%get3A_326] {strides = array<i32>} : memref<1520xf32, #tpu.memory_space<vmem>>, vector<16xf32>,
    %mul3A_328 = arith.mulf %get3A_148, %get3A_327 : vector<16xf32>
    %add3A_329 = arith.addf %add3A_325, %mul3A_328 : vector<16xf32>
    %get3A_330 = arith.constant 880 : index
    %get3A_331 = tpu.vector_load %arg33[%get3A_330] {strides = array<i32>} : memref<1520xf32, #tpu.memory_space<vmem>>, vector<16xf32>,
    %mul3A_332 = arith.mulf %get3A_150, %get3A_331 : vector<16xf32>
    %add3A_333 = arith.addf %add3A_329, %mul3A_332 : vector<16xf32>
    %get3A_334 = arith.constant 896 : index
    %get3A_335 = tpu.vector_load %arg33[%get3A_334] {strides = array<i32>} : memref<1520xf32, #tpu.memory_space<vmem>>, vector<16xf32>,
    %mul3A_336 = arith.mulf %get3A_152, %get3A_335 : vector<16xf32>
    %jit3A_337 = arith.constant 0.000000e+00 : f32
    %broadcast_in_dim3A_338 = vector.broadcast %jit3A_337 : f32 to vector<16xf32>
    %select_n3A_339 = arith.select %lt3A_143, %mul3A_336, %broadcast_in_dim3A_338 : vector<16xi1>, vector<16xf32>
    %add3A_340 = arith.addf %add3A_333, %select_n3A_339 : vector<16xf32>
    %select_n3A_341 = arith.select %lt3A_143, %get3A_144, %get3A_152 : vector<16xi1>, vector<16xf32>
    %get3A_342 = arith.constant 912 : index
    %get3A_343 = tpu.vector_load %arg33[%get3A_342] {strides = array<i32>} : memref<1520xf32, #tpu.memory_space<vmem>>, vector<16xf32>,
    %mul3A_344 = arith.mulf %select_n3A_341, %get3A_343 : vector<16xf32>
    %get3A_345 = arith.constant 928 : index
    %get3A_346 = tpu.vector_load %arg33[%get3A_345] {strides = array<i32>} : memref<1520xf32, #tpu.memory_space<vmem>>, vector<16xf32>,
    %mul3A_347 = arith.mulf %get3A_154, %get3A_346 : vector<16xf32>
    %add3A_348 = arith.addf %mul3A_344, %mul3A_347 : vector<16xf32>
    %get3A_349 = arith.constant 944 : index
    %get3A_350 = tpu.vector_load %arg33[%get3A_349] {strides = array<i32>} : memref<1520xf32, #tpu.memory_space<vmem>>, vector<16xf32>,
    %mul3A_351 = arith.mulf %get3A_156, %get3A_350 : vector<16xf32>
    %add3A_352 = arith.addf %add3A_348, %mul3A_351 : vector<16xf32>
    %get3A_353 = arith.constant 960 : index
    %get3A_354 = tpu.vector_load %arg33[%get3A_353] {strides = array<i32>} : memref<1520xf32, #tpu.memory_space<vmem>>, vector<16xf32>,
    %mul3A_355 = arith.mulf %get3A_158, %get3A_354 : vector<16xf32>
    %add3A_356 = arith.addf %add3A_352, %mul3A_355 : vector<16xf32>
    %get3A_357 = arith.constant 976 : index
    %get3A_358 = tpu.vector_load %arg33[%get3A_357] {strides = array<i32>} : memref<1520xf32, #tpu.memory_space<vmem>>, vector<16xf32>,
    %mul3A_359 = arith.mulf %get3A_160, %get3A_358 : vector<16xf32>
    %jit3A_360 = arith.constant 0.000000e+00 : f32
    %broadcast_in_dim3A_361 = vector.broadcast %jit3A_360 : f32 to vector<16xf32>
    %select_n3A_362 = arith.select %lt3A_143, %mul3A_359, %broadcast_in_dim3A_361 : vector<16xi1>, vector<16xf32>
    %add3A_363 = arith.addf %add3A_356, %select_n3A_362 : vector<16xf32>
    %select_n3A_364 = arith.select %lt3A_143, %get3A_144, %get3A_160 : vector<16xi1>, vector<16xf32>
    %get3A_365 = arith.constant 992 : index
    %get3A_366 = tpu.vector_load %arg33[%get3A_365] {strides = array<i32>} : memref<1520xf32, #tpu.memory_space<vmem>>, vector<16xf32>,
    %mul3A_367 = arith.mulf %select_n3A_364, %get3A_366 : vector<16xf32>
    %get3A_368 = arith.constant 1008 : index
    %get3A_369 = tpu.vector_load %arg33[%get3A_368] {strides = array<i32>} : memref<1520xf32, #tpu.memory_space<vmem>>, vector<16xf32>,
    %mul3A_370 = arith.mulf %get3A_162, %get3A_369 : vector<16xf32>
    %add3A_371 = arith.addf %mul3A_367, %mul3A_370 : vector<16xf32>
    %get3A_372 = arith.constant 1024 : index
    %get3A_373 = tpu.vector_load %arg33[%get3A_372] {strides = array<i32>} : memref<1520xf32, #tpu.memory_space<vmem>>, vector<16xf32>,
    %mul3A_374 = arith.mulf %get3A_164, %get3A_373 : vector<16xf32>
    %add3A_375 = arith.addf %add3A_371, %mul3A_374 : vector<16xf32>
    %get3A_376 = arith.constant 1040 : index
    %get3A_377 = tpu.vector_load %arg33[%get3A_376] {strides = array<i32>} : memref<1520xf32, #tpu.memory_space<vmem>>, vector<16xf32>,
    %mul3A_378 = arith.mulf %get3A_166, %get3A_377 : vector<16xf32>
    %add3A_379 = arith.addf %add3A_375, %mul3A_378 : vector<16xf32>
    %get3A_380 = arith.constant 1056 : index
    %get3A_381 = tpu.vector_load %arg33[%get3A_380] {strides = array<i32>} : memref<1520xf32, #tpu.memory_space<vmem>>, vector<16xf32>,
    %mul3A_382 = arith.mulf %get3A_168, %get3A_381 : vector<16xf32>
    %jit3A_383 = arith.constant 0.000000e+00 : f32
    %broadcast_in_dim3A_384 = vector.broadcast %jit3A_383 : f32 to vector<16xf32>
    %select_n3A_385 = arith.select %lt3A_143, %mul3A_382, %broadcast_in_dim3A_384 : vector<16xi1>, vector<16xf32>
    %add3A_386 = arith.addf %add3A_379, %select_n3A_385 : vector<16xf32>
    %select_n3A_387 = arith.select %lt3A_143, %get3A_144, %get3A_168 : vector<16xi1>, vector<16xf32>
    %get3A_388 = arith.constant 1072 : index
    %get3A_389 = tpu.vector_load %arg33[%get3A_388] {strides = array<i32>} : memref<1520xf32, #tpu.memory_space<vmem>>, vector<16xf32>,
    %mul3A_390 = arith.mulf %select_n3A_387, %get3A_389 : vector<16xf32>
    %get3A_391 = arith.constant 1088 : index
    %get3A_392 = tpu.vector_load %arg33[%get3A_391] {strides = array<i32>} : memref<1520xf32, #tpu.memory_space<vmem>>, vector<16xf32>,
    %mul3A_393 = arith.mulf %get3A_170, %get3A_392 : vector<16xf32>
    %add3A_394 = arith.addf %mul3A_390, %mul3A_393 : vector<16xf32>
    %get3A_395 = arith.constant 1104 : index
    %get3A_396 = tpu.vector_load %arg33[%get3A_395] {strides = array<i32>} : memref<1520xf32, #tpu.memory_space<vmem>>, vector<16xf32>,
    %mul3A_397 = arith.mulf %get3A_172, %get3A_396 : vector<16xf32>
    %add3A_398 = arith.addf %add3A_394, %mul3A_397 : vector<16xf32>
    %get3A_399 = arith.constant 1120 : index
    %get3A_400 = tpu.vector_load %arg33[%get3A_399] {strides = array<i32>} : memref<1520xf32, #tpu.memory_space<vmem>>, vector<16xf32>,
    %mul3A_401 = arith.mulf %get3A_174, %get3A_400 : vector<16xf32>
    %add3A_402 = arith.addf %add3A_398, %mul3A_401 : vector<16xf32>
    %get3A_403 = arith.constant 1136 : index
    %get3A_404 = tpu.vector_load %arg33[%get3A_403] {strides = array<i32>} : memref<1520xf32, #tpu.memory_space<vmem>>, vector<16xf32>,
    %mul3A_405 = arith.mulf %get3A_176, %get3A_404 : vector<16xf32>
    %jit3A_406 = arith.constant 0.000000e+00 : f32
    %broadcast_in_dim3A_407 = vector.broadcast %jit3A_406 : f32 to vector<16xf32>
    %select_n3A_408 = arith.select %lt3A_143, %mul3A_405, %broadcast_in_dim3A_407 : vector<16xi1>, vector<16xf32>
    %add3A_409 = arith.addf %add3A_402, %select_n3A_408 : vector<16xf32>
    %broadcast_in_dim3A_410 = arith.constant 1152 : i32
    %broadcast_in_dim3A_411 = vector.broadcast %broadcast_in_dim3A_410 : i32 to vector<16xi32>
    %gather3A = tpu.vector_load_idx %arg33[%broadcast_in_dim3A_411] : memref<1520xf32, #tpu.memory_space<vmem>>[vector<16xi32>], vector<16xf32>,
    %broadcast_in_dim3A_412 = arith.constant 1168 : i32
    %broadcast_in_dim3A_413 = vector.broadcast %broadcast_in_dim3A_412 : i32 to vector<16xi32>
    %gather3A_414 = tpu.vector_load_idx %arg33[%broadcast_in_dim3A_413] : memref<1520xf32, #tpu.memory_space<vmem>>[vector<16xi32>], vector<16xf32>,
    %broadcast_in_dim3A_415 = arith.constant 1184 : i32
    %broadcast_in_dim3A_416 = vector.broadcast %broadcast_in_dim3A_415 : i32 to vector<16xi32>
    %gather3A_417 = tpu.vector_load_idx %arg33[%broadcast_in_dim3A_416] : memref<1520xf32, #tpu.memory_space<vmem>>[vector<16xi32>], vector<16xf32>,
    %broadcast_in_dim3A_418 = arith.constant 1200 : i32
    %broadcast_in_dim3A_419 = vector.broadcast %broadcast_in_dim3A_418 : i32 to vector<16xi32>
    %gather3A_420 = tpu.vector_load_idx %arg33[%broadcast_in_dim3A_419] : memref<1520xf32, #tpu.memory_space<vmem>>[vector<16xi32>], vector<16xf32>,
    %broadcast_in_dim3A_421 = arith.constant 1216 : i32
    %broadcast_in_dim3A_422 = vector.broadcast %broadcast_in_dim3A_421 : i32 to vector<16xi32>
    %gather3A_423 = tpu.vector_load_idx %arg33[%broadcast_in_dim3A_422] : memref<1520xf32, #tpu.memory_space<vmem>>[vector<16xi32>], vector<16xf32>,
    %broadcast_in_dim3A_424 = arith.constant 1232 : i32
    %broadcast_in_dim3A_425 = vector.broadcast %broadcast_in_dim3A_424 : i32 to vector<16xi32>
    %gather3A_426 = tpu.vector_load_idx %arg33[%broadcast_in_dim3A_425] : memref<1520xf32, #tpu.memory_space<vmem>>[vector<16xi32>], vector<16xf32>,
    %broadcast_in_dim3A_427 = arith.constant 1248 : i32
    %broadcast_in_dim3A_428 = vector.broadcast %broadcast_in_dim3A_427 : i32 to vector<16xi32>
    %gather3A_429 = tpu.vector_load_idx %arg33[%broadcast_in_dim3A_428] : memref<1520xf32, #tpu.memory_space<vmem>>[vector<16xi32>], vector<16xf32>,
    %broadcast_in_dim3A_430 = arith.constant 1264 : i32
    %broadcast_in_dim3A_431 = vector.broadcast %broadcast_in_dim3A_430 : i32 to vector<16xi32>
    %gather3A_432 = tpu.vector_load_idx %arg33[%broadcast_in_dim3A_431] : memref<1520xf32, #tpu.memory_space<vmem>>[vector<16xi32>], vector<16xf32>,
    %broadcast_in_dim3A_433 = arith.constant 1280 : i32
    %broadcast_in_dim3A_434 = vector.broadcast %broadcast_in_dim3A_433 : i32 to vector<16xi32>
    %gather3A_435 = tpu.vector_load_idx %arg33[%broadcast_in_dim3A_434] : memref<1520xf32, #tpu.memory_space<vmem>>[vector<16xi32>], vector<16xf32>,
    %broadcast_in_dim3A_436 = arith.constant 1296 : i32
    %broadcast_in_dim3A_437 = vector.broadcast %broadcast_in_dim3A_436 : i32 to vector<16xi32>
    %gather3A_438 = tpu.vector_load_idx %arg33[%broadcast_in_dim3A_437] : memref<1520xf32, #tpu.memory_space<vmem>>[vector<16xi32>], vector<16xf32>,
    %broadcast_in_dim3A_439 = arith.constant 1312 : i32
    %broadcast_in_dim3A_440 = vector.broadcast %broadcast_in_dim3A_439 : i32 to vector<16xi32>
    %gather3A_441 = tpu.vector_load_idx %arg33[%broadcast_in_dim3A_440] : memref<1520xf32, #tpu.memory_space<vmem>>[vector<16xi32>], vector<16xf32>,
    %broadcast_in_dim3A_442 = arith.constant 1328 : i32
    %broadcast_in_dim3A_443 = vector.broadcast %broadcast_in_dim3A_442 : i32 to vector<16xi32>
    %gather3A_444 = tpu.vector_load_idx %arg33[%broadcast_in_dim3A_443] : memref<1520xf32, #tpu.memory_space<vmem>>[vector<16xi32>], vector<16xf32>,
    %broadcast_in_dim3A_445 = arith.constant 1344 : i32
    %broadcast_in_dim3A_446 = vector.broadcast %broadcast_in_dim3A_445 : i32 to vector<16xi32>
    %gather3A_447 = tpu.vector_load_idx %arg33[%broadcast_in_dim3A_446] : memref<1520xf32, #tpu.memory_space<vmem>>[vector<16xi32>], vector<16xf32>,
    %broadcast_in_dim3A_448 = arith.constant 1360 : i32
    %broadcast_in_dim3A_449 = vector.broadcast %broadcast_in_dim3A_448 : i32 to vector<16xi32>
    %gather3A_450 = tpu.vector_load_idx %arg33[%broadcast_in_dim3A_449] : memref<1520xf32, #tpu.memory_space<vmem>>[vector<16xi32>], vector<16xf32>,
    %get3A_451 = arith.constant 1376 : index
    %get3A_452 = tpu.vector_load %arg33[%get3A_451] {strides = array<i32>} : memref<1520xf32, #tpu.memory_space<vmem>>, vector<16xf32>,
    %get3A_453 = arith.constant 1392 : index
    %get3A_454 = tpu.vector_load %arg33[%get3A_453] {strides = array<i32>} : memref<1520xf32, #tpu.memory_space<vmem>>, vector<16xf32>,
    %get3A_455 = arith.constant 1408 : index
    %get3A_456 = tpu.vector_load %arg33[%get3A_455] {strides = array<i32>} : memref<1520xf32, #tpu.memory_space<vmem>>, vector<16xf32>,
    %get3A_457 = arith.constant 1424 : index
    %get3A_458 = tpu.vector_load %arg33[%get3A_457] {strides = array<i32>} : memref<1520xf32, #tpu.memory_space<vmem>>, vector<16xf32>,
    %get3A_459 = arith.constant 1440 : index
    %get3A_460 = tpu.vector_load %arg33[%get3A_459] {strides = array<i32>} : memref<1520xf32, #tpu.memory_space<vmem>>, vector<16xf32>,
    %get3A_461 = arith.constant 1456 : index
    %get3A_462 = tpu.vector_load %arg33[%get3A_461] {strides = array<i32>} : memref<1520xf32, #tpu.memory_space<vmem>>, vector<16xf32>,
    %get3A_463 = arith.constant 1472 : index
    %get3A_464 = tpu.vector_load %arg33[%get3A_463] {strides = array<i32>} : memref<1520xf32, #tpu.memory_space<vmem>>, vector<16xf32>,
    %get3A_465 = arith.constant 1488 : index
    %get3A_466 = tpu.vector_load %arg33[%get3A_465] {strides = array<i32>} : memref<1520xf32, #tpu.memory_space<vmem>>, vector<16xf32>,
    %xor3A = arith.constant 8 : i32
    %xor3A_467 = vector.broadcast %xor3A : i32 to vector<16xi32>
    %xor3A_468 = arith.xori %iota3A, %xor3A_467 : vector<16xi32>
    %broadcast_in_dim3A_469 = vector.shape_cast %xor3A_468 : vector<16xi32> to vector<16x1xi32>
    %gather3A_470 = vector.shape_cast %broadcast_in_dim3A_469 : vector<16x1xi32> to vector<16xi32>
    %gather3A_471 = tpu.dynamic_gather %add3A_241[%gather3A_470] in [0] : vector<16xf32>, vector<16xi32> -> vector<16xf32>
    %add3A_472 = arith.addf %add3A_241, %gather3A_471 : vector<16xf32>
    %xor3A_473 = arith.constant 4 : i32
    %xor3A_474 = vector.broadcast %xor3A_473 : i32 to vector<16xi32>
    %xor3A_475 = arith.xori %iota3A, %xor3A_474 : vector<16xi32>
    %broadcast_in_dim3A_476 = vector.shape_cast %xor3A_475 : vector<16xi32> to vector<16x1xi32>
    %gather3A_477 = vector.shape_cast %broadcast_in_dim3A_476 : vector<16x1xi32> to vector<16xi32>
    %gather3A_478 = tpu.dynamic_gather %add3A_472[%gather3A_477] in [0] : vector<16xf32>, vector<16xi32> -> vector<16xf32>
    %add3A_479 = arith.addf %add3A_472, %gather3A_478 : vector<16xf32>
    %xor3A_480 = arith.constant 2 : i32
    %xor3A_481 = vector.broadcast %xor3A_480 : i32 to vector<16xi32>
    %xor3A_482 = arith.xori %iota3A, %xor3A_481 : vector<16xi32>
    %broadcast_in_dim3A_483 = vector.shape_cast %xor3A_482 : vector<16xi32> to vector<16x1xi32>
    %gather3A_484 = vector.shape_cast %broadcast_in_dim3A_483 : vector<16x1xi32> to vector<16xi32>
    %gather3A_485 = tpu.dynamic_gather %add3A_479[%gather3A_484] in [0] : vector<16xf32>, vector<16xi32> -> vector<16xf32>
    %add3A_486 = arith.addf %add3A_479, %gather3A_485 : vector<16xf32>
    %xor3A_487 = arith.constant 1 : i32
    %xor3A_488 = vector.broadcast %xor3A_487 : i32 to vector<16xi32>
    %xor3A_489 = arith.xori %iota3A, %xor3A_488 : vector<16xi32>
    %broadcast_in_dim3A_490 = vector.shape_cast %xor3A_489 : vector<16xi32> to vector<16x1xi32>
    %gather3A_491 = vector.shape_cast %broadcast_in_dim3A_490 : vector<16x1xi32> to vector<16xi32>
    %gather3A_492 = tpu.dynamic_gather %add3A_486[%gather3A_491] in [0] : vector<16xf32>, vector<16xi32> -> vector<16xf32>
    %add3A_493 = arith.addf %add3A_486, %gather3A_492 : vector<16xf32>
    %add3A_494 = arith.addf %add3A_493, %gather3A_432 : vector<16xf32>
    %mul3A_495 = arith.mulf %gather3A, %add3A_494 : vector<16xf32>
    %neg3A = arith.constant 0.000000e+00 : f32
    %neg3A_496 = vector.broadcast %neg3A : f32 to vector<16xf32>
    %neg3A_497 = arith.subf %neg3A_496, %mul3A_495 : vector<16xf32>
    %exp3A = math.exp %neg3A_497 : vector<16xf32>
    %ge3A = arith.constant 0.000000e+00 : f32
    %ge3A_498 = vector.broadcast %ge3A : f32 to vector<16xf32>
    %ge3A_499 = arith.cmpf oge, %mul3A_495, %ge3A_498 : vector<16xf32>
    %select_n3A_500 = arith.select %ge3A_499, %add3A_318, %add3A_279 : vector<16xi1>, vector<16xf32>
    %select_n3A_501 = arith.select %ge3A_499, %gather3A_417, %gather3A_414 : vector<16xi1>, vector<16xf32>
    %select_n3A_502 = arith.select %ge3A_499, %gather3A_438, %gather3A_435 : vector<16xi1>, vector<16xf32>
    %select_n3A_503 = arith.select %ge3A_499, %add3A_386, %add3A_340 : vector<16xi1>, vector<16xf32>
    %select_n3A_504 = arith.select %ge3A_499, %add3A_409, %add3A_363 : vector<16xi1>, vector<16xf32>
    %select_n3A_505 = arith.select %ge3A_499, %gather3A_426, %gather3A_420 : vector<16xi1>, vector<16xf32>
    %select_n3A_506 = arith.select %ge3A_499, %gather3A_429, %gather3A_423 : vector<16xi1>, vector<16xf32>
    %select_n3A_507 = arith.select %ge3A_499, %gather3A_447, %gather3A_441 : vector<16xi1>, vector<16xf32>
    %select_n3A_508 = arith.select %ge3A_499, %gather3A_450, %gather3A_444 : vector<16xi1>, vector<16xf32>
    %select_n3A_509 = arith.select %ge3A_499, %get3A_460, %get3A_452 : vector<16xi1>, vector<16xf32>
    %select_n3A_510 = arith.select %ge3A_499, %get3A_462, %get3A_454 : vector<16xi1>, vector<16xf32>
    %select_n3A_511 = arith.select %ge3A_499, %get3A_464, %get3A_456 : vector<16xi1>, vector<16xf32>
    %select_n3A_512 = arith.select %ge3A_499, %get3A_466, %get3A_458 : vector<16xi1>, vector<16xf32>
    %xor3A_513 = arith.constant 8 : i32
    %xor3A_514 = vector.broadcast %xor3A_513 : i32 to vector<16xi32>
    %xor3A_515 = arith.xori %iota3A, %xor3A_514 : vector<16xi32>
    %broadcast_in_dim3A_516 = vector.shape_cast %xor3A_515 : vector<16xi32> to vector<16x1xi32>
    %gather3A_517 = vector.shape_cast %broadcast_in_dim3A_516 : vector<16x1xi32> to vector<16xi32>
    %gather3A_518 = tpu.dynamic_gather %select_n3A_500[%gather3A_517] in [0] : vector<16xf32>, vector<16xi32> -> vector<16xf32>
    %add3A_519 = arith.addf %select_n3A_500, %gather3A_518 : vector<16xf32>
    %xor3A_520 = arith.constant 4 : i32
    %xor3A_521 = vector.broadcast %xor3A_520 : i32 to vector<16xi32>
    %xor3A_522 = arith.xori %iota3A, %xor3A_521 : vector<16xi32>
    %broadcast_in_dim3A_523 = vector.shape_cast %xor3A_522 : vector<16xi32> to vector<16x1xi32>
    %gather3A_524 = vector.shape_cast %broadcast_in_dim3A_523 : vector<16x1xi32> to vector<16xi32>
    %gather3A_525 = tpu.dynamic_gather %add3A_519[%gather3A_524] in [0] : vector<16xf32>, vector<16xi32> -> vector<16xf32>
    %add3A_526 = arith.addf %add3A_519, %gather3A_525 : vector<16xf32>
    %xor3A_527 = arith.constant 2 : i32
    %xor3A_528 = vector.broadcast %xor3A_527 : i32 to vector<16xi32>
    %xor3A_529 = arith.xori %iota3A, %xor3A_528 : vector<16xi32>
    %broadcast_in_dim3A_530 = vector.shape_cast %xor3A_529 : vector<16xi32> to vector<16x1xi32>
    %gather3A_531 = vector.shape_cast %broadcast_in_dim3A_530 : vector<16x1xi32> to vector<16xi32>
    %gather3A_532 = tpu.dynamic_gather %add3A_526[%gather3A_531] in [0] : vector<16xf32>, vector<16xi32> -> vector<16xf32>
    %add3A_533 = arith.addf %add3A_526, %gather3A_532 : vector<16xf32>
    %xor3A_534 = arith.constant 1 : i32
    %xor3A_535 = vector.broadcast %xor3A_534 : i32 to vector<16xi32>
    %xor3A_536 = arith.xori %iota3A, %xor3A_535 : vector<16xi32>
    %broadcast_in_dim3A_537 = vector.shape_cast %xor3A_536 : vector<16xi32> to vector<16x1xi32>
    %gather3A_538 = vector.shape_cast %broadcast_in_dim3A_537 : vector<16x1xi32> to vector<16xi32>
    %gather3A_539 = tpu.dynamic_gather %add3A_533[%gather3A_538] in [0] : vector<16xf32>, vector<16xi32> -> vector<16xf32>
    %add3A_540 = arith.addf %add3A_533, %gather3A_539 : vector<16xf32>
    %add3A_541 = arith.addf %add3A_540, %select_n3A_502 : vector<16xf32>
    %mul3A_542 = arith.mulf %select_n3A_501, %add3A_541 : vector<16xf32>
    %neg3A_543 = arith.constant 0.000000e+00 : f32
    %neg3A_544 = vector.broadcast %neg3A_543 : f32 to vector<16xf32>
    %neg3A_545 = arith.subf %neg3A_544, %mul3A_542 : vector<16xf32>
    %exp3A_546 = math.exp %neg3A_545 : vector<16xf32>
    %ge3A_547 = arith.constant 0.000000e+00 : f32
    %ge3A_548 = vector.broadcast %ge3A_547 : f32 to vector<16xf32>
    %ge3A_549 = arith.cmpf oge, %mul3A_542, %ge3A_548 : vector<16xf32>
    %select_n3A_550 = arith.select %ge3A_549, %select_n3A_504, %select_n3A_503 : vector<16xi1>, vector<16xf32>
    %select_n3A_551 = arith.select %ge3A_549, %select_n3A_506, %select_n3A_505 : vector<16xi1>, vector<16xf32>
    %select_n3A_552 = arith.select %ge3A_549, %select_n3A_508, %select_n3A_507 : vector<16xi1>, vector<16xf32>
    %select_n3A_553 = arith.select %ge3A_549, %select_n3A_511, %select_n3A_509 : vector<16xi1>, vector<16xf32>
    %select_n3A_554 = arith.select %ge3A_549, %select_n3A_512, %select_n3A_510 : vector<16xi1>, vector<16xf32>
    %add3A_555 = arith.constant 1.000000e+00 : f32
    %add3A_556 = vector.broadcast %add3A_555 : f32 to vector<16xf32>
    %add3A_557 = arith.addf %add3A_556, %exp3A : vector<16xf32>
    %add3A_558 = arith.constant 1.000000e+00 : f32
    %add3A_559 = vector.broadcast %add3A_558 : f32 to vector<16xf32>
    %add3A_560 = arith.addf %add3A_559, %exp3A_546 : vector<16xf32>
    %mul3A_561 = arith.mulf %add3A_557, %add3A_560 : vector<16xf32>
    %div3A = arith.constant 1.000000e+00 : f32
    %div3A_562 = vector.broadcast %div3A : f32 to vector<16xf32>
    %div3A_563 = arith.divf %div3A_562, %mul3A_561 : vector<16xf32>
    %xor3A_564 = arith.constant 8 : i32
    %xor3A_565 = vector.broadcast %xor3A_564 : i32 to vector<16xi32>
    %xor3A_566 = arith.xori %iota3A, %xor3A_565 : vector<16xi32>
    %broadcast_in_dim3A_567 = vector.shape_cast %xor3A_566 : vector<16xi32> to vector<16x1xi32>
    %gather3A_568 = vector.shape_cast %broadcast_in_dim3A_567 : vector<16x1xi32> to vector<16xi32>
    %gather3A_569 = tpu.dynamic_gather %select_n3A_550[%gather3A_568] in [0] : vector<16xf32>, vector<16xi32> -> vector<16xf32>
    %add3A_570 = arith.addf %select_n3A_550, %gather3A_569 : vector<16xf32>
    %xor3A_571 = arith.constant 4 : i32
    %xor3A_572 = vector.broadcast %xor3A_571 : i32 to vector<16xi32>
    %xor3A_573 = arith.xori %iota3A, %xor3A_572 : vector<16xi32>
    %broadcast_in_dim3A_574 = vector.shape_cast %xor3A_573 : vector<16xi32> to vector<16x1xi32>
    %gather3A_575 = vector.shape_cast %broadcast_in_dim3A_574 : vector<16x1xi32> to vector<16xi32>
    %gather3A_576 = tpu.dynamic_gather %add3A_570[%gather3A_575] in [0] : vector<16xf32>, vector<16xi32> -> vector<16xf32>
    %add3A_577 = arith.addf %add3A_570, %gather3A_576 : vector<16xf32>
    %xor3A_578 = arith.constant 2 : i32
    %xor3A_579 = vector.broadcast %xor3A_578 : i32 to vector<16xi32>
    %xor3A_580 = arith.xori %iota3A, %xor3A_579 : vector<16xi32>
    %broadcast_in_dim3A_581 = vector.shape_cast %xor3A_580 : vector<16xi32> to vector<16x1xi32>
    %gather3A_582 = vector.shape_cast %broadcast_in_dim3A_581 : vector<16x1xi32> to vector<16xi32>
    %gather3A_583 = tpu.dynamic_gather %add3A_577[%gather3A_582] in [0] : vector<16xf32>, vector<16xi32> -> vector<16xf32>
    %add3A_584 = arith.addf %add3A_577, %gather3A_583 : vector<16xf32>
    %xor3A_585 = arith.constant 1 : i32
    %xor3A_586 = vector.broadcast %xor3A_585 : i32 to vector<16xi32>
    %xor3A_587 = arith.xori %iota3A, %xor3A_586 : vector<16xi32>
    %broadcast_in_dim3A_588 = vector.shape_cast %xor3A_587 : vector<16xi32> to vector<16x1xi32>
    %gather3A_589 = vector.shape_cast %broadcast_in_dim3A_588 : vector<16x1xi32> to vector<16xi32>
    %gather3A_590 = tpu.dynamic_gather %add3A_584[%gather3A_589] in [0] : vector<16xf32>, vector<16xi32> -> vector<16xf32>
    %add3A_591 = arith.addf %add3A_584, %gather3A_590 : vector<16xf32>
    %add3A_592 = arith.addf %add3A_591, %select_n3A_552 : vector<16xf32>
    %mul3A_593 = arith.mulf %select_n3A_551, %add3A_592 : vector<16xf32>
    %neg3A_594 = arith.constant 0.000000e+00 : f32
    %neg3A_595 = vector.broadcast %neg3A_594 : f32 to vector<16xf32>
    %neg3A_596 = arith.subf %neg3A_595, %mul3A_593 : vector<16xf32>
    %exp3A_597 = math.exp %neg3A_596 : vector<16xf32>
    %ge3A_598 = arith.constant 0.000000e+00 : f32
    %ge3A_599 = vector.broadcast %ge3A_598 : f32 to vector<16xf32>
    %ge3A_600 = arith.cmpf oge, %mul3A_593, %ge3A_599 : vector<16xf32>
    %select_n3A_601 = arith.select %ge3A_600, %select_n3A_554, %select_n3A_553 : vector<16xi1>, vector<16xf32>
    %add3A_602 = arith.constant 1.000000e+00 : f32
    %add3A_603 = vector.broadcast %add3A_602 : f32 to vector<16xf32>
    %add3A_604 = arith.addf %add3A_603, %exp3A_597 : vector<16xf32>
    %div3A_605 = arith.divf %div3A_563, %add3A_604 : vector<16xf32>
    %mul3A_606 = arith.mulf %div3A_605, %select_n3A_601 : vector<16xf32>
    %swap3A = arith.constant 1504 : index
    %swap3A_607 = tpu.vector_load %arg33[%swap3A] {strides = array<i32>} : memref<1520xf32, #tpu.memory_space<vmem>>, vector<16xf32>,
    tpu.vector_store %arg33[%swap3A], %mul3A_606 {strides = array<i32>} : memref<1520xf32, #tpu.memory_space<vmem>>, vector<16xf32>,
    "tpu.region"() ({
      %run_scoped3A = tpu.sem_alloc : memref<!tpu.dma_semaphore, #tpu.memory_space<semaphore_mem>>
      %dma_start3A_608 = arith.constant 1504 : i32
      %dma_start3A_609 = tpu.memref_slice %arg33[%dma_start3A_608] : memref<1520xf32, #tpu.memory_space<vmem>> -> memref<8xf32, #tpu.memory_space<vmem>>
      %dma_start3A_610 = arith.constant 1504 : i32
      %dma_start3A_611 = tpu.memref_slice %arg33[%dma_start3A_610] : memref<1520xf32, #tpu.memory_space<vmem>> -> memref<8xf32, #tpu.memory_space<vmem>>
      tpu.enqueue_dma source(%dma_start3A_611 : memref<8xf32, #tpu.memory_space<vmem>>) target(%arg32 : memref<8xf32, #tpu.memory_space<hbm>>) target_semaphore(%run_scoped3A : memref<!tpu.dma_semaphore, #tpu.memory_space<semaphore_mem>>)
      %dma_wait3A_612 = arith.constant 1504 : i32
      %dma_wait3A_613 = tpu.memref_slice %arg33[%dma_wait3A_612] : memref<1520xf32, #tpu.memory_space<vmem>> -> memref<8xf32, #tpu.memory_space<vmem>>
      %dma_wait3A_614 = arith.constant 1504 : i32
      %dma_wait3A_615 = tpu.memref_slice %arg33[%dma_wait3A_614] : memref<1520xf32, #tpu.memory_space<vmem>> -> memref<8xf32, #tpu.memory_space<vmem>>
      tpu.wait_dma2 semaphore(%run_scoped3A : memref<!tpu.dma_semaphore, #tpu.memory_space<semaphore_mem>>) src(%dma_wait3A_615 : memref<8xf32, #tpu.memory_space<vmem>>) dst(%arg32 : memref<8xf32, #tpu.memory_space<hbm>>)
      tpu.yield
    }) : () -> ()
    return
  }
}

</mosaic_0001>

<sc_bundles>
// kernel: kernel.3.cloned.1.call-start
scs
__scs_entry_jumppad:
0x0: {  	(pc) =	sbr.rel $0x88, $3  }
0x1: {  	(tag) =	ssettag $0x0;
	lr =	simm.s32 $0x1  }
0x2: {  	[smem:$0x3F83] =	sst lr;
	_ =	strace $0xD0000000  }
0x3: {  	_ = 	snop  }
0x4: {  	_ = 	snop  }
0x5: {  	_ = 	snop  }
0x6: {  	_ = 	snop  }
0x7: {  	_ = 	snop  }
__scs_overlays_trampoline_lowered:
0x8: {  	[smem:$0x3F92] =	sst s0  }
0x9: {  	[smem:$0x3F93] =	sst s1  }
0xa: {  	[smem:$0x3F94] =	sst s2  }
0xb: {  	[smem:$0x3F95] =	sst s3  }
0xc: {  	[smem:$0x3F96] =	sst s4  }
0xd: {  	[smem:$0x3F97] =	sst s5  }
0xe: {  	[smem:$0x3F98] =	sst s6  }
0xf: {  	[smem:$0x3F99] =	sst s7  }
0x10: {  	[smem:$0x3F9A] =	sst s8  }
0x11: {  	[smem:$0x3F9B] =	sst s9;
	s0 =	simm.s32 @!p0 $0x0  }
0x12: {  	s1 =	sld [smem:$0x3F81];
	s0 =	simm.s32 @p0 $0x1  }
0x13: {  	[smem:$0x3F9C] =	sst s0;
	s0 =	simm.s32 @!p1 $0x0  }
0x14: {  	s2 =	sld [smem:$0x3F80];
	s0 =	simm.s32 @p1 $0x1  }
0x15: {  	[smem:$0x3F9D] =	sst s0;
	s0 =	simm.s32 @!p2 $0x0  }
0x16: {  	s3 =	sld [smem:$0x3FDB];
	s0 =	simm.s32 @p2 $0x1  }
0x17: {  	s4 =	simm.s32 $0x1BF5;
	[smem:$0x3F9F] =	sst s0  }
0x18: {  	s0 =	sld [smem:$0x3F82];
	_ =	swait.ge [sflag:s4], $0x0  }
0x19: {  	s7 =	sld [smem:$0x3F83]  }
0x1a: {  	s8 =	sadd.s32 $0xFFFFE003, lr  }
0x1b: {  	s9 =	sadd.s32 $0xFFFFFEF7, lr;
	s5 =	simm.s32 $0xFFFFFFFF;
	p2 =	slt.u32 s8, $0xFFFFF086  }
0x1c: {  	p1 =	slt.u32 s9, $0xF7A;
	s5 =	simm.s32 @!p2 $0x0  }
0x1d: {  	s5 =	simm.s32 @p1 $0x1;
	p0 =	seq.s32 s7, s2  }
0x1e: {  	s7 =	smul.u32 @!p0 $0xF7A, s2;
	p2 =	seq.s32 @!p0 s5, $0x0  }
0x1f: {  	s9 =	smul.u32 $0xF7A, s1;
	s8 =	simm.s32 @!p0 $0x1BF5;
	p2 =	por !p2, p0  }
0x20: {  	[sflag:s8] =	ssyncset.s32 @!p0 $0xFFFFF086;
	s6 =	sadd.s32 @!p0 s3, s7;
	s7 =	simm.s32 @!p0 $0x108  }
0x21: {  	s3 =	sadd.s32 s3, s9;
	s6 =	sadd.s32 @!p0 $0x88, s6;
	s7 =	simm.s32 @p2 $0x1082  }
0x22: {  	[simem:s7], [sflag:s8] =	dma.local @!p0 [hbm:s6], $0xF7A  }
0x23: {  	s9 =	sor.u32 $0xD0000000, s2;
	s6 =	simm.s32 $0x108;
	_ =	swait.ge @!p0 [sflag:s8], $0x0  }
0x24: {  	s3 =	sadd.s32 $0x88, s3;
	s6 =	simm.s32 @!p1 $0x1082;
	[sflag:s4] =	ssyncset.s32 $0xFFFFF086  }
0x25: {  	[simem:s6], [sflag:s4] =	dma.local [hbm:s3], $0xF7A  }
0x26: {  	[smem:$0x3F83] =	sst s1;
	(tag) =	ssettag s2;
	_ =	strace s9  }
0x27: {  	s1 =	sld [smem:$0x3F93]  }
0x28: {  	s2 =	sld [smem:$0x3F94]  }
0x29: {  	s4 =	sld [smem:$0x3F96]  }
0x2a: {  	p0 =	seq.s32 s5, $0x0;
	s5 =	sld [smem:$0x3F97]  }
0x2b: {  	s6 =	sld [smem:$0x3F98]  }
0x2c: {  	s7 =	sld [smem:$0x3F99]  }
0x2d: {  	s3 =	simm.s32 $0x108;
	s8 =	sld [smem:$0x3F9A]  }
0x2e: {  	s3 =	simm.s32 @!p0 $0x1082;
	s9 =	sld [smem:$0x3F9B]  }
0x2f: {  	lr =	sadd.s32 s0, s3;
	s0 =	sld [smem:$0x3F92]  }
0x30: {  	s3 =	sld [smem:$0x3F95]  }
0x31: {  	[smem:$0x3F9E] =	sst s10  }
0x32: {  	s10 =	sld [smem:$0x3F9C];
	_ =	sdelay $0x3  }
0x33: {  	p0 =	seq.s32 s10, $0x1;
	s10 =	sld [smem:$0x3F9E];
	_ =	sdelay $0x3  }
0x34: {  	[smem:$0x3F9E] =	sst s10  }
0x35: {  	s10 =	sld [smem:$0x3F9D];
	_ =	sdelay $0x3  }
0x36: {  	p1 =	seq.s32 s10, $0x1;
	s10 =	sld [smem:$0x3F9E];
	_ =	sdelay $0x3  }
0x37: {  	[smem:$0x3F9E] =	sst s10  }
0x38: {  	s10 =	sld [smem:$0x3F9F]  }
0x39: {  	_ = 	snop;
	(pc) =	sbr.ind lr, $3  }
0x3a: {  	_ = 	snop  }
0x3b: {  	_ = 	snop  }
0x3c: {  	p2 =	seq.s32 s10, $0x1;
	s10 =	sld [smem:$0x3F9E]  }
0x3d: {  	_ =	shalt  }
0x3e: {  	_ =	shalt  }
0x3f: {  	_ =	shalt  }
0x40: {  	_ =	shalt  }
0x41: {  	_ =	shalt  }
0x42: {  	_ =	shalt  }
0x43: {  	_ =	shalt  }
0x44: {  	_ =	shalt  }
0x45: {  	_ =	shalt  }
0x46: {  	_ =	shalt  }
0x47: {  	_ =	shalt  }
0x48: {  	_ =	shalt  }
0x49: {  	_ =	shalt  }
0x4a: {  	_ =	shalt  }
0x4b: {  	_ =	shalt  }
0x4c: {  	_ =	shalt  }
0x4d: {  	_ =	shalt  }
0x4e: {  	_ =	shalt  }
0x4f: {  	_ =	shalt  }
0x50: {  	_ =	shalt  }
0x51: {  	_ =	shalt  }
0x52: {  	_ =	shalt  }
0x53: {  	_ =	shalt  }
0x54: {  	_ =	shalt  }
0x55: {  	_ =	shalt  }
0x56: {  	_ =	shalt  }
0x57: {  	_ =	shalt  }
0x58: {  	_ =	shalt  }
0x59: {  	_ =	shalt  }
0x5a: {  	_ =	shalt  }
0x5b: {  	_ =	shalt  }
0x5c: {  	_ =	shalt  }
0x5d: {  	_ =	shalt  }
0x5e: {  	_ =	shalt  }
0x5f: {  	_ =	shalt  }
0x60: {  	_ =	shalt  }
0x61: {  	_ =	shalt  }
0x62: {  	_ =	shalt  }
0x63: {  	_ =	shalt  }
0x64: {  	_ =	shalt  }
0x65: {  	_ =	shalt  }
0x66: {  	_ =	shalt  }
0x67: {  	_ =	shalt  }
0x68: {  	_ =	shalt  }
0x69: {  	_ =	shalt  }
0x6a: {  	_ =	shalt  }
0x6b: {  	_ =	shalt  }
0x6c: {  	_ =	shalt  }
0x6d: {  	_ =	shalt  }
0x6e: {  	_ =	shalt  }
0x6f: {  	_ =	shalt  }
0x70: {  	_ =	shalt  }
0x71: {  	_ =	shalt  }
0x72: {  	_ =	shalt  }
0x73: {  	_ =	shalt  }
0x74: {  	_ =	shalt  }
0x75: {  	_ =	shalt  }
0x76: {  	_ =	shalt  }
0x77: {  	_ =	shalt  }
0x78: {  	_ =	shalt  }
0x79: {  	_ =	shalt  }
0x7a: {  	_ =	shalt  }
0x7b: {  	_ =	shalt  }
0x7c: {  	_ =	shalt  }
0x7d: {  	_ =	shalt  }
0x7e: {  	_ =	shalt  }
0x7f: {  	_ =	shalt  }
0x80: {  	_ =	shalt  }
0x81: {  	_ =	shalt  }
0x82: {  	_ =	shalt  }
0x83: {  	_ =	shalt  }
0x84: {  	_ =	shalt  }
0x85: {  	_ =	shalt  }
0x86: {  	_ =	shalt  }
0x87: {  	_ =	shalt  }
.Lfunc_end0:
.L_simem_size_0:
called_computation_lowered:
.L_overlay_start_0:
0x88: {  	s0 =	sld [smem:$0x3FD9]  }
0x89: {  	s1 =	sld [smem:$0x3FFE];
	_ =	sdelay $0x3  }
0x8a: {  	s0 =	sadd.s32 s1, s0  }
0x8b: {  	[smem:$0x3FAA] =	sst s0  }
0x8c: {  	_ = 	snop  }
0x8d: {  	s6 =	sld [smem:$0x3FC9]  }
0x8e: {  	s5 =	sld [smem:$0x3FC4]  }
0x8f: {  	s20 =	sld [smem:$0x3FC2]  }
0x90: {  	s21 =	sld [smem:$0x3FC1]  }
0x91: {  	s22 =	sld [smem:$0x3FC0]  }
0x92: {  	s18 =	sld [smem:$0x3FBF]  }
0x93: {  	s19 =	sld [smem:$0x3FBE]  }
0x94: {  	s31 =	sld [smem:$0x3FBD]  }
0x95: {  	s23 =	sld [smem:$0x3FBC]  }
0x96: {  	s24 =	sld [smem:$0x3FBB]  }
0x97: {  	s25 =	sld [smem:$0x3FBA]  }
0x98: {  	s26 =	sld [smem:$0x3FB9]  }
0x99: {  	s28 =	sld [smem:$0x3FB8]  }
0x9a: {  	s29 =	sld [smem:$0x3FB7]  }
0x9b: {  	s30 =	sld [smem:$0x3FB6]  }
0x9c: {  	s15 =	sld [smem:$0x3FB5]  }
0x9d: {  	s16 =	sld [smem:$0x3FB4]  }
0x9e: {  	s17 =	sld [smem:$0x3FB3]  }
0x9f: {  	s9 =	sld [smem:$0x3FB2]  }
0xa0: {  	s10 =	sld [smem:$0x3FB1]  }
0xa1: {  	s7 =	sld [smem:$0x3FB0]  }
0xa2: {  	s8 =	sld [smem:$0x3FAF]  }
0xa3: {  	s14 =	sld [smem:$0x3FAE]  }
0xa4: {  	s11 =	sld [smem:$0x3FAD]  }
0xa5: {  	s12 =	sld [smem:$0x3FAC]  }
0xa6: {  	s3 =	sld [smem:$0x3FD0];
	(tm) =	ssettm $0x1  }
0xa7: {  	s13 =	sld [smem:$0x3FFB];
	_ =	sdelay $0x3  }
0xa8: {  	_ =	strace s13  }
0xa9: {  	s13 =	sld [smem:$0x3FFC];
	_ =	sdelay $0x3  }
0xaa: {  	_ =	strace s13  }
0xab: {  	s13 =	sld [smem:$0x3FFD];
	_ =	sdelay $0x3  }
0xac: {  	_ =	strace s13  }
0xad: {  	_ =	strace $0x8FFFFFFF  }
0xae: {  	s0 =	sld [smem:$0x3FDB];
	_ =	sdelay $0x1  }
0xaf: {  	s4 =	simm.s32 $_size__tile_task_arg_handler_lowered  }
0xb0: {  	s2 =	simm.s32 $_tile_task_arg_handler_lowered;
	s1 =	simm.s32 $_scs_section_size  }
0xb1: {  	s2 =	sshll.u32 s2, $0x1;
	s13 =	simm.s32 $0x1BFF;
	s0 =	sadd.s32 s1, s0  }
0xb2: {  	s1 =	sshll.u32 s4, $0x1;
	s4 =	simm.s32 $0x60;
	s2 =	sadd.s32 s2, s0  }
0xb3: {  	[timem:s4], [sflag:s13] =	dma.local [hbm:s2], s1  }
0xb4: {  	_ =	swait.ge [sflag:s13], s1  }
0xb5: {  	s4 =	simm.s32 $_tile_overlayer_lowered;
	s1 =	ssub.s32 $0x0, s1;
	[sflag:s13] =	ssyncset.done $0x0  }
0xb6: {  	[sflag:s13] =	ssyncadd.s32 s1;
	s1 =	sshll.u32 s4, $0x1;
	s4 =	simm.s32 $_size__tile_overlayer_lowered  }
0xb7: {  	s2 =	sshll.u32 s4, $0x1;
	s4 =	sadd.s32 s1, s0;
	s1 =	simm.s32 $0x0  }
0xb8: {  	[timem:s1], [sflag:s13] =	dma.local [hbm:s4], s2  }
0xb9: {  	_ =	swait.ge [sflag:s13], s2  }
0xba: {  	s2 =	ssub.s32 $0x0, s2;
	[sflag:s13] =	ssyncset.done $0x0  }
0xbb: {  	[sflag:s13] =	ssyncadd.s32 s2;
	_ =	sdelay $0x1  }
0xbc: {  	s13 =	simm.s32 $0x1B8B  }
0xbd: {  	_ =	swait.ge [sflag:s13], $0x1  }
0xbe: {  	[sflag:s13] =	ssyncset.done $0x0  }
0xbf: {  	s4 =	simm.s32 $0x1B8E;
	[sflag:s13] =	ssyncadd.s32 $0xFFFFFFFF  }
0xc0: {  	s13 =	simm.s32 $execute0_lowered;
	[smem:$0x3FD2] =	sst s4  }
0xc1: {  	s2 =	sshll.u32 s13, $0x1;
	_ =	strace $0x80000046;
	[dreg:$0x1] =	wrdreg $0xFFFFFFFF  }
0xc2: {  	s4 =	simm.s32 $_size_execute0_lowered;
	s0 =	sadd.s32 s0, s2;
	[dreg:$0x0] =	wrdreg $0x0  }
0xc3: {  	s13 =	sshll.u32 s4, $0x1;
	[dreg:$0x2] =	wrdreg s0  }
0xc4: {  	[dreg:$0x3] =	wrdreg s13  }
0xc5: {  	[dreg:$0x4] =	wrdreg $0xC0  }
0xc6: {  	_ =	task [dreg:s1], $0x5FFFF  }
0xc7: {  	[dreg:$0x1] =	wrdreg $0xFFFFFFFF  }
0xc8: {  	[dreg:$0x0] =	wrdreg $0x30  }
0xc9: {  	[dreg:$0x2] =	wrdreg $0x0  }
0xca: {  	[dreg:$0x3] =	wrdreg s20  }
0xcb: {  	[dreg:$0x4] =	wrdreg s21  }
0xcc: {  	[dreg:$0x5] =	wrdreg s22  }
0xcd: {  	[dreg:$0x6] =	wrdreg s31  }
0xce: {  	[dreg:$0x7] =	wrdreg s18  }
0xcf: {  	[dreg:$0x8] =	wrdreg s19  }
0xd0: {  	[dreg:$0x9] =	wrdreg s23  }
0xd1: {  	[dreg:$0xa] =	wrdreg s24  }
0xd2: {  	[dreg:$0xb] =	wrdreg s25  }
0xd3: {  	[dreg:$0xc] =	wrdreg s26  }
0xd4: {  	[dreg:$0xd] =	wrdreg s28  }
0xd5: {  	[dreg:$0xe] =	wrdreg s29  }
0xd6: {  	[dreg:$0xf] =	wrdreg s30  }
0xd7: {  	_ =	task [dreg:s1], $0x10FFFF  }
0xd8: {  	[dreg:$0x1] =	wrdreg $0xFFFFFFFF  }
0xd9: {  	[dreg:$0x0] =	wrdreg $0x30  }
0xda: {  	[dreg:$0x2] =	wrdreg $0xD  }
0xdb: {  	[dreg:$0x3] =	wrdreg s15  }
0xdc: {  	[dreg:$0x4] =	wrdreg s16  }
0xdd: {  	[dreg:$0x5] =	wrdreg s17  }
0xde: {  	[dreg:$0x6] =	wrdreg s3  }
0xdf: {  	[dreg:$0x7] =	wrdreg $0x9  }
0xe0: {  	_ =	task [dreg:s1], $0x8FFFF  }
0xe1: {  	[dreg:$0x1] =	wrdreg $0xFFFFFFFF  }
0xe2: {  	s21 =	sld [smem:$0x3FC8]  }
0xe3: {  	s22 =	sld [smem:$0x3FC7]  }
0xe4: {  	s23 =	sld [smem:$0x3FC6]  }
0xe5: {  	s24 =	sld [smem:$0x3FC5]  }
0xe6: {  	s25 =	sld [smem:$0x3FC3]  }
0xe7: {  	[dreg:$0x0] =	wrdreg $0x60  }
0xe8: {  	[dreg:$0x2] =	wrdreg s6  }
0xe9: {  	[dreg:$0x3] =	wrdreg s9  }
0xea: {  	[dreg:$0x4] =	wrdreg s10  }
0xeb: {  	[dreg:$0x5] =	wrdreg s14  }
0xec: {  	[dreg:$0x6] =	wrdreg s7  }
0xed: {  	[dreg:$0x7] =	wrdreg s8  }
0xee: {  	[dreg:$0x8] =	wrdreg s11  }
0xef: {  	[dreg:$0x9] =	wrdreg s12  }
0xf0: {  	[dreg:$0xa] =	wrdreg s21  }
0xf1: {  	[dreg:$0xb] =	wrdreg s22  }
0xf2: {  	[dreg:$0xc] =	wrdreg s5  }
0xf3: {  	[dreg:$0xd] =	wrdreg s23  }
0xf4: {  	[dreg:$0xe] =	wrdreg s24  }
0xf5: {  	[dreg:$0xf] =	wrdreg s25  }
0xf6: {  	_ =	task.clear_ibuf [dreg:s1], $0x10FFFF;
	_ =	strace $0x90000046  }
0xf7: {  	s26 =	simm.s32 $0x9;
	_ =	strace $0x80000048  }
0xf8: {  	_ =	swait.ge [sflag:s26], $0x1  }
0xf9: {  	[sflag:s26] =	ssyncadd.s32 $0xFFFFFFFF  }
0xfa: {  	_ =	strace $0x90000048  }
0xfb: {  	_ =	sfence  }
0xfc: {  	s28 =	sld [smem:$0x0];
	_ =	sdelay $0x1  }
0xfd: {  	s29 =	srdreg.scid  }
0xfe: {  	s30 =	sshll.u32 s29, $0xD;
	s31 =	sshrl.u32 s29, $0x2  }
0xff: {  	s2 =	sand.u32 $0x1, s29;
	s3 =	sand.u32 $0x4000, s30;
	s0 =	sadd.s32 s31, s28  }
0x100: {  	s2 =	sor.u32 s3, s2;
	s0 =	sshll.u32 s0, $0x11  }
0x101: {  	s0 =	sor.u32 s0, s2  }
0x102: {  	s0 =	sadd.s32 $0x8F2B, s0  }
0x103: {  	[sflag:s0] =	ssyncadd.remote.s32 $0x1  }
0x104: {  	_ =	sfence.sel $0xFFFF  }
0x105: {  	[dreg:$0x0] =	wrdreg $0xFFFFFFFF;
	(pc) =	sbr.abs _section_cstart, $3  }
0x106: {  	[dreg:$0x1] =	wrdreg $0xFFFFFFFF  }
0x107: {  	_ =	task.clear_ibuf [dreg:s1], $0x2FFFF;
	_ =	strace $0x9FFFFFFF  }
0x108: {  	(tm) =	ssettm $0x7FFFFFFF  }
0x109: {  	_ =	shalt  }
tec
_tile_task_arg_handler_lowered:
.L_overlay_start_1:
0x0: {  	(tag) =	ssettag $0x1  }
0x1: {  	s0 =	rddreg [dreg:$0x0]  }
0x2: {  	s1 =	rddreg [dreg:$0x1]  }
0x3: {  	s2 =	rddreg [dreg:$0x2]  }
0x4: {  	s3 =	rddreg [dreg:$0x3]  }
0x5: {  	s4 =	rddreg [dreg:$0x4]  }
0x6: {  	s5 =	rddreg [dreg:$0x5]  }
0x7: {  	s6 =	rddreg [dreg:$0x6]  }
0x8: {  	s7 =	rddreg [dreg:$0x7]  }
0x9: {  	s8 =	rddreg [dreg:$0x8]  }
0xa: {  	s9 =	rddreg [dreg:$0x9]  }
0xb: {  	s10 =	rddreg [dreg:$0xa]  }
0xc: {  	s11 =	rddreg [dreg:$0xb]  }
0xd: {  	s12 =	rddreg [dreg:$0xc]  }
0xe: {  	s13 =	rddreg [dreg:$0xd]  }
0xf: {  	[smem:s0] =	sst s1  }
0x10: {  	[smem:s0+$0x1] =	sst s2  }
0x11: {  	[smem:s0+$0x2] =	sst s3  }
0x12: {  	[smem:s0+$0x3] =	sst s4  }
0x13: {  	[smem:s0+$0x4] =	sst s5  }
0x14: {  	[smem:s0+$0x5] =	sst s6  }
0x15: {  	[smem:s0+$0x6] =	sst s7  }
0x16: {  	[smem:s0+$0x7] =	sst s8  }
0x17: {  	[smem:s0+$0x8] =	sst s9  }
0x18: {  	[smem:s0+$0x9] =	sst s10  }
0x19: {  	[smem:s0+$0xA] =	sst s11  }
0x1a: {  	[smem:s0+$0xB] =	sst s12  }
0x1b: {  	[smem:s0+$0xC] =	sst s13;
	_ =	shalt  }
.Lfunc_end2:
execute0_lowered:
.L_overlay_start_2:
0x1c: {  	(tag) =	ssettag $0x2  }
0x1d: {  	s0 =	rddreg [dreg:$0x0]  }
0x1e: {  	s1 =	rddreg [dreg:$0x1]  }
0x1f: {  	s31 =	rddreg [dreg:$0x2]  }
0x20: {  	s30 =	rddreg [dreg:$0x3]  }
0x21: {  	s29 =	rddreg [dreg:$0x4]  }
0x22: {  	s28 =	rddreg [dreg:$0x5]  }
0x23: {  	s26 =	rddreg [dreg:$0x6]  }
0x24: {  	s25 =	rddreg [dreg:$0x7]  }
0x25: {  	s24 =	rddreg [dreg:$0x8]  }
0x26: {  	s23 =	rddreg [dreg:$0x9]  }
0x27: {  	s22 =	rddreg [dreg:$0xa]  }
0x28: {  	s21 =	rddreg [dreg:$0xb]  }
0x29: {  	s20 =	rddreg [dreg:$0xc]  }
0x2a: {  	s19 =	rddreg [dreg:$0xd]  }
0x2b: {  	s18 =	sld [smem:$0x0]  }
0x2c: {  	s17 =	sld [smem:$0x1]  }
0x2d: {  	s16 =	sld [smem:$0x2]  }
0x2e: {  	s15 =	sld [smem:$0x3]  }
0x2f: {  	s14 =	sld [smem:$0x4]  }
0x30: {  	s13 =	sld [smem:$0x5]  }
0x31: {  	s12 =	sld [smem:$0x6]  }
0x32: {  	s11 =	sld [smem:$0x7]  }
0x33: {  	s10 =	sld [smem:$0x8]  }
0x34: {  	s2 =	sld [smem:$0x10]  }
0x35: {  	s9 =	sld [smem:$0x9]  }
0x36: {  	s8 =	sld [smem:$0xA]  }
0x37: {  	[dreg:$0xf] =	wrdreg s2;
	s2 =	stileid.u32  }
0x38: {  	s7 =	sld [smem:$0xB];
	p0 =	sne.s32 s2, $0x0  }
.Ltmp0:
0x39: {  	s6 =	sld [smem:$0xC];
	(pc) =	sbr.rel @p0 .LBB3_2-.Ltmp0, $4  }
0x3a: {  	s5 =	sld [smem:$0xD]  }
0x3b: {  	s4 =	sld [smem:$0xE]  }
0x3c: {  	s3 =	sld [smem:$0xF]  }
0x3d: {  	s2 =	sld [smem:$0x11];
	_ =	strace $0x80000047  }
0x3e: {  	_ =	sdelay $0x1  }
0x3f: {  	[dreg:$0xe] =	wrdreg s2;
	s2 =	simm.s32 $0x0  }
0x40: {  	[tilespmem:s2], [sflag:$0x1] =	stream.linear.gather [hbm4b:s0+s2], $0x105, $0x38;
	[tilespmem:$0x600] =	vst v63  }
0x41: {  	s0 =	simm.s32 $0x110  }
0x42: {  	[tilespmem:s0], [sflag:$0x1] =	stream.linear.gather [hbm4b:s1+s2], $0x105, $0x38;
	[tilespmem:$0x600] =	vst v63  }
0x43: {  	s1 =	simm.s32 $0x220  }
0x44: {  	[tilespmem:s1], [sflag:$0x1] =	stream.linear.gather [hbm4b:s31+s2], $0x85, $0x38;
	[tilespmem:$0x600] =	vst v63  }
0x45: {  	s1 =	simm.s32 $0x2B0  }
0x46: {  	[tilespmem:s1], [sflag:$0x1] =	stream.linear.gather [hbm4b:s30+s2], $0x85, $0x38;
	[tilespmem:$0x600] =	vst v63  }
0x47: {  	s31 =	simm.s32 $0x340  }
0x48: {  	[tilespmem:s31], [sflag:$0x1] =	stream.linear.gather [hbm4b:s29+s2], $0x45, $0x38;
	[tilespmem:$0x600] =	vst v63  }
0x49: {  	s1 =	simm.s32 $0x390  }
0x4a: {  	[tilespmem:s1], [sflag:$0x1] =	stream.linear.gather [hbm4b:s28+s2], $0x45, $0x38;
	[tilespmem:$0x600] =	vst v63  }
0x4b: {  	s29 =	simm.s32 $0x3E0  }
0x4c: {  	[tilespmem:s29], [sflag:$0x1] =	stream.linear.gather [hbm4b:s26+s2], $0x45, $0x38;
	[tilespmem:$0x600] =	vst v63  }
0x4d: {  	s30 =	simm.s32 $0x430  }
0x4e: {  	[tilespmem:s30], [sflag:$0x1] =	stream.linear.gather [hbm4b:s25+s2], $0x45, $0x38;
	[tilespmem:$0x600] =	vst v63  }
0x4f: {  	s31 =	simm.s32 $0x480  }
0x50: {  	[tilespmem:s31], [sflag:$0x1] =	stream.linear.gather [hbm4b:s24+s2], $0x1, $0x38;
	[tilespmem:$0x600] =	vst v63  }
0x51: {  	s1 =	simm.s32 $0x490  }
0x52: {  	[tilespmem:s1], [sflag:$0x1] =	stream.linear.gather [hbm4b:s23+s2], $0x1, $0x38;
	[tilespmem:$0x600] =	vst v63  }
0x53: {  	s24 =	simm.s32 $0x4A0  }
0x54: {  	[tilespmem:s24], [sflag:$0x1] =	stream.linear.gather [hbm4b:s22+s2], $0x1, $0x38;
	[tilespmem:$0x600] =	vst v63  }
0x55: {  	s25 =	simm.s32 $0x4B0  }
0x56: {  	[tilespmem:s25], [sflag:$0x1] =	stream.linear.gather [hbm4b:s21+s2], $0x1, $0x38;
	[tilespmem:$0x600] =	vst v63  }
0x57: {  	s26 =	simm.s32 $0x4C0  }
0x58: {  	[tilespmem:s26], [sflag:$0x1] =	stream.linear.gather [hbm4b:s20+s2], $0x1, $0x38;
	[tilespmem:$0x600] =	vst v63  }
0x59: {  	s28 =	simm.s32 $0x4D0  }
0x5a: {  	[tilespmem:s28], [sflag:$0x1] =	stream.linear.gather [hbm4b:s19+s2], $0x1, $0x38;
	[tilespmem:$0x600] =	vst v63  }
0x5b: {  	s29 =	simm.s32 $0x4E0  }
0x5c: {  	[tilespmem:s29], [sflag:$0x1] =	stream.linear.gather [hbm4b:s18+s2], $0x1, $0x38;
	[tilespmem:$0x600] =	vst v63  }
0x5d: {  	s30 =	simm.s32 $0x4F0  }
0x5e: {  	[tilespmem:s30], [sflag:$0x1] =	stream.linear.gather [hbm4b:s17+s2], $0x1, $0x38;
	[tilespmem:$0x600] =	vst v63  }
0x5f: {  	s31 =	simm.s32 $0x500  }
0x60: {  	[tilespmem:s31], [sflag:$0x1] =	stream.linear.gather [hbm4b:s16+s2], $0x1, $0x38;
	[tilespmem:$0x600] =	vst v63  }
0x61: {  	s1 =	simm.s32 $0x510  }
0x62: {  	[tilespmem:s1], [sflag:$0x1] =	stream.linear.gather [hbm4b:s15+s2], $0x1, $0x38;
	[tilespmem:$0x600] =	vst v63  }
0x63: {  	s15 =	simm.s32 $0x520  }
0x64: {  	[tilespmem:s15], [sflag:$0x1] =	stream.linear.gather [hbm4b:s14+s2], $0x1, $0x38;
	[tilespmem:$0x600] =	vst v63  }
0x65: {  	s16 =	simm.s32 $0x530  }
0x66: {  	[tilespmem:s16], [sflag:$0x1] =	stream.linear.gather [hbm4b:s13+s2], $0x1, $0x38;
	[tilespmem:$0x600] =	vst v63  }
0x67: {  	s17 =	simm.s32 $0x540  }
0x68: {  	[tilespmem:s17], [sflag:$0x1] =	stream.linear.gather [hbm4b:s12+s2], $0x1, $0x38;
	[tilespmem:$0x600] =	vst v63  }
0x69: {  	s18 =	simm.s32 $0x550  }
0x6a: {  	[tilespmem:s18], [sflag:$0x1] =	stream.linear.gather [hbm4b:s11+s2], $0x1, $0x38;
	[tilespmem:$0x600] =	vst v63  }
0x6b: {  	s19 =	simm.s32 $0x560  }
0x6c: {  	[tilespmem:s19], [sflag:$0x1] =	stream.linear.gather [hbm4b:s10+s2], $0x8, $0x38;
	[tilespmem:$0x600] =	vst v63  }
0x6d: {  	s20 =	simm.s32 $0x570  }
0x6e: {  	[tilespmem:s20], [sflag:$0x1] =	stream.linear.gather [hbm4b:s9+s2], $0x8, $0x38;
	[tilespmem:$0x600] =	vst v63  }
0x6f: {  	s21 =	simm.s32 $0x580  }
0x70: {  	[tilespmem:s21], [sflag:$0x1] =	stream.linear.gather [hbm4b:s8+s2], $0x8, $0x38;
	[tilespmem:$0x600] =	vst v63  }
0x71: {  	s22 =	simm.s32 $0x590  }
0x72: {  	[tilespmem:s22], [sflag:$0x1] =	stream.linear.gather [hbm4b:s7+s2], $0x8, $0x38;
	[tilespmem:$0x600] =	vst v63  }
0x73: {  	s23 =	simm.s32 $0x5A0  }
0x74: {  	[tilespmem:s23], [sflag:$0x1] =	stream.linear.gather [hbm4b:s6+s2], $0x8, $0x38;
	[tilespmem:$0x600] =	vst v63  }
0x75: {  	s24 =	simm.s32 $0x5B0  }
0x76: {  	[tilespmem:s24], [sflag:$0x1] =	stream.linear.gather [hbm4b:s5+s2], $0x8, $0x38;
	[tilespmem:$0x600] =	vst v63  }
0x77: {  	s25 =	simm.s32 $0x5C0  }
0x78: {  	[tilespmem:s25], [sflag:$0x1] =	stream.linear.gather [hbm4b:s4+s2], $0x8, $0x38;
	[tilespmem:$0x600] =	vst v63  }
0x79: {  	s26 =	simm.s32 $0x5D0;
	s28 =	simm.s32 $0x1  }
0x7a: {  	[tilespmem:s26], [sflag:$0x1] =	stream.linear.gather [hbm4b:s3+s2], $0x8, $0x38;
	[tilespmem:$0x600] =	vst v63  }
0x7b: {  	_ =	swait.ge [sflag:s28], $0x105  }
0x7c: {  	[sflag:s28] =	ssyncset.done $0x0  }
0x7d: {  	[sflag:s28] =	ssyncadd.s32 $0xFFFFFEFB  }
0x7e: {  	_ =	swait.ge [sflag:s28], $0x105  }
0x7f: {  	[sflag:s28] =	ssyncset.done $0x0  }
0x80: {  	[sflag:s28] =	ssyncadd.s32 $0xFFFFFEFB  }
0x81: {  	_ =	swait.ge [sflag:s28], $0x105  }
0x82: {  	[sflag:s28] =	ssyncset.done $0x0  }
0x83: {  	[sflag:s28] =	ssyncadd.s32 $0xFFFFFEFB  }
0x84: {  	_ =	swait.ge [sflag:s28], $0x105  }
0x85: {  	[sflag:s28] =	ssyncset.done $0x0  }
0x86: {  	[sflag:s28] =	ssyncadd.s32 $0xFFFFFEFB  }
0x87: {  	_ =	swait.ge [sflag:s28], $0x62  }
0x88: {  	[sflag:s28] =	ssyncset.done $0x0  }
0x89: {  	[sflag:s28] =	ssyncadd.s32 $0xFFFFFF9E  }
0x8a: {  	v0 =	vld [tilespmem:$0x0]  }
0x8b: {  	v16 =	vld [tilespmem:$0x10]  }
0x8c: {  	v15 =	vld [tilespmem:$0x20]  }
0x8d: {  	v14 =	vld [tilespmem:$0x30]  }
0x8e: {  	v11 =	vld [tilespmem:$0x40]  }
0x8f: {  	v1 =	vld [tilespmem:$0x110]  }
0x90: {  	v2 =	vld [tilespmem:$0x120]  }
0x91: {  	v13 =	vld [tilespmem:$0x50]  }
0x92: {  	v4 =	vld [tilespmem:$0x130]  }
0x93: {  	v12 =	vld [tilespmem:$0x60]  }
0x94: {  	v6 =	vld [tilespmem:$0x140]  }
0x95: {  	v5 =	vld [tilespmem:$0x70];
	v1 =	vmul.f32 v1, v0;
	v2 =	vmul.f32 v2, v16  }
0x96: {  	v7 =	vld [tilespmem:$0x150]  }
0x97: {  	v3 =	vld [tilespmem:$0x80];
	v30 =	vmul.f32 v4, v15;
	v1 =	vadd.f32 v2, v1  }
0x98: {  	v9 =	vld [tilespmem:$0x160]  }
0x99: {  	v8 =	vld [tilespmem:$0x90];
	v31 =	vmul.f32 v6, v14;
	v1 =	vadd.f32 v30, v1  }
0x9a: {  	v32 =	vld [tilespmem:$0x170]  }
0x9b: {  	v17 =	vld [tilespmem:$0x180];
	v7 =	vmul.f32 v7, v11;
	v1 =	vadd.f32 v31, v1  }
0x9c: {  	v18 =	vld [tilespmem:$0x190]  }
0x9d: {  	v19 =	vld [tilespmem:$0x1A0];
	v9 =	vmul.f32 v9, v13;
	v7 =	vadd.f32 v7, v1  }
0x9e: {  	v10 =	vld [tilespmem:$0xD0]  }
0x9f: {  	v34 =	vld [tilespmem:$0x1B0];
	v6 =	vmul.f32 v32, v12;
	v7 =	vadd.f32 v9, v7  }
0xa0: {  	v20 =	vld [tilespmem:$0x1C0]  }
0xa1: {  	v21 =	vld [tilespmem:$0x1D0];
	v33 =	vmul.f32 v17, v5;
	v6 =	vadd.f32 v6, v7  }
0xa2: {  	v4 =	vld [tilespmem:$0xA0]  }
0xa3: {  	v35 =	vld [tilespmem:$0x1E0];
	v18 =	vmul.f32 v18, v3;
	v7 =	vadd.f32 v33, v6  }
0xa4: {  	v2 =	vld [tilespmem:$0xB0]  }
0xa5: {  	v37 =	vld [tilespmem:$0x1F0];
	v19 =	vmul.f32 v19, v8;
	v18 =	vadd.f32 v18, v7  }
0xa6: {  	v1 =	vld [tilespmem:$0xC0]  }
0xa7: {  	v22 =	vld [tilespmem:$0x200];
	v17 =	vmul.f32 v34, v4;
	v18 =	vadd.f32 v19, v18  }
0xa8: {  	v39 =	vld [tilespmem:$0x210]  }
0xa9: {  	v23 =	vld [tilespmem:$0x220];
	v36 =	vmul.f32 v20, v2;
	v17 =	vadd.f32 v17, v18  }
0xaa: {  	v9 =	vld [tilespmem:$0xE0]  }
0xab: {  	v41 =	vld [tilespmem:$0x230];
	v38 =	vmul.f32 v21, v1;
	v17 =	vadd.f32 v36, v17  }
0xac: {  	v6 =	vld [tilespmem:$0xF0]  }
0xad: {  	v40 =	vmul.f32 v35, v10;
	v7 =	vld [tilespmem:$0x100];
	v17 =	vadd.f32 v38, v17;
	_ =	sdelay $0x1  }
0xae: {  	v43 =	vld [tilespmem:$0x240];
	v42 =	vmul.f32 v37, v9;
	v17 =	vadd.f32 v40, v17  }
0xaf: {  	vm0 =	vmmov $0x1f;
	v48 =	vimm.s32 $0xFEDCBA98  }
0xb0: {  	v23 =	vmul.f32 v23, v0;
	v44 =	vmul.f32 v22, v6;
	v17 =	vadd.f32 v42, v17  }
0xb1: {  	v49 =	vimm.s32 $0x76543210;
	v19 =	vmul.f32 v41, v16;
	v21 =	vmul.f32 v39, v7  }
0xb2: {  	v26 =	vimm.s32 $0xBA98FEDC;
	v27 =	vimm.s32 $0x32107654;
	v17 =	vadd.f32 v44, v17  }
0xb3: {  	v24 =	vld [tilespmem:$0x2B0];
	v20 =	vmul.f32 v43, v15;
	v19 =	vadd.f32 v19, v23;
	v21 =	vnsel vm0, $0x0, v21  }
0xb4: {  	v29 =	vimm.s32 $0xDCFE98BA;
	v28 =	vld [tilespmem:$0x260];
	v47 =	vadd.f32 v21, v17;
	v17 =	vunpack.c.l.s4.s8 v48  }
0xb5: {  	v26 =	vunpack.c.l.s4.s8 v26;
	v46 =	vld [tilespmem:$0x2C0];
	v19 =	vadd.f32 v20, v19;
	v20 =	vunpack.c.l.s4.s8 v49  }
0xb6: {  	v27 =	vunpack.c.l.s4.s8 v27;
	v56 =	vunpack.c.l.s4.s8 v29;
	v25 =	vld [tilespmem:$0x2D0];
	v17 =	vunpack.c.0.s8.s32 v17  }
0xb7: {  	v52 =	vunpack.c.0.s8.s32 v26;
	v20 =	vunpack.c.0.s8.s32 v20  }
0xb8: {  	v53 =	vunpack.c.0.s8.s32 v27;
	v61 =	vunpack.c.0.s8.s32 v56;
	v58 =	vld [tilespmem:$0x290];
	v17 =	vand.u32 $0xF, v17  }
0xb9: {  	v28 =	vmul.f32 v28, v11;
	v31 =	vld [tilespmem:$0x2E0];
	v21 =	vsel vm0, v0, v3;
	v17 =	vcombine.low v17, v20  }
0xba: {  	v45 =	vld [tilespmem:$0x250];
	v30 =	vimm.s32 $0x54761032;
	v18 =	vmul.f32 v46, v8;
	v24 =	vmul.f32 v24, v21  }
0xbb: {  	v51 =	vmul.f32 v25, v4;
	v57 =	vunpack.c.l.s4.s8 v30;
	v55 =	vperm.xlane v47, v17  }
0xbc: {  	v50 =	vld [tilespmem:$0x270];
	v34 =	vimm.s32 $0x67452301;
	v18 =	vadd.f32 v18, v24;
	v24 =	vcombine.low v53, v52  }
0xbd: {  	v54 =	vld [tilespmem:$0x280];
	v62 =	vunpack.c.0.s8.s32 v57;
	v57 =	vmul.f32 v58, v5;
	v59 =	vadd.f32 v55, v47  }
0xbe: {  	v63 =	vld [tilespmem:$0x2F0];
	v31 =	vmul.f32 v31, v2;
	v32 =	vadd.f32 v51, v18;
	v18 =	vand.u32 $0xF, v24  }
0xbf: {  	v60 =	vld [tilespmem:$0x2A0];
	v33 =	vimm.s32 $0xEFCDAB89;
	v22 =	vmul.f32 v45, v14;
	v40 =	vperm.xlane v59, v18  }
0xc0: {  	v41 =	vunpack.c.l.s4.s8 v33;
	v49 =	vld [tilespmem:$0x350];
	v42 =	vunpack.c.l.s4.s8 v34;
	v24 =	vcombine.low v62, v61  }
0xc1: {  	v35 =	vld [tilespmem:$0x300];
	v36 =	vimm.s32 $0x4F0;
	v22 =	vadd.f32 v22, v19;
	v29 =	vadd.f32 v40, v59  }
0xc2: {  	v43 =	vld [tilespmem:$0x310];
	v44 =	vunpack.c.0.s8.s32 v41;
	v45 =	vunpack.c.0.s8.s32 v42;
	v19 =	vand.u32 $0xF, v24  }
0xc3: {  	v58 =	vld [tilespmem:$0x370];
	v27 =	vmul.f32 v63, v1;
	v38 =	vimm.s32 $0x480;
	v39 =	vperm.xlane v29, v19  }
0xc4: {  	v37 =	vld [tilespmem:$0x320];
	v22 =	vadd.f32 v28, v22;
	v31 =	vadd.f32 v31, v32;
	v24 =	vcombine.low v45, v44  }
0xc5: {  	v46 =	vld [tilespmem:$0x330];
	v16 =	vmul.f32 v49, v16;
	v48 =	vmul.f32 v50, v13;
	v29 =	vadd.f32 v39, v29  }
0xc6: {  	v50 =	vmul.f32 v35, v10;
	v51 =	vld.idx.msk [tilespmem:v36+s2+$0x0], $0xffff;
	v27 =	vadd.f32 v27, v31;
	v20 =	vand.u32 $0xF, v24  }
0xc7: {  	v63 =	vld [tilespmem:$0x3A0];
	v49 =	vimm.s32 $0x500;
	v52 =	vmul.f32 v54, v12;
	v54 =	vperm.xlane v29, v20  }
0xc8: {  	v56 =	vld.idx.msk [tilespmem:v38+s2+$0x0], $0xffff;
	v22 =	vadd.f32 v48, v22;
	v55 =	vmul.f32 v43, v9;
	v27 =	vadd.f32 v50, v27  }
0xc9: {  	v23 =	vmul.f32 v60, v3;
	v60 =	vld [tilespmem:$0x380];
	v28 =	vadd.f32 v54, v29  }
0xca: {  	v38 =	vld [tilespmem:$0x3C0];
	v22 =	vadd.f32 v52, v22;
	v27 =	vadd.f32 v55, v27;
	v59 =	vmul.f32 v37, v6  }
0xcb: {  	v42 =	vld [tilespmem:$0x3F0];
	v61 =	vmul.f32 v46, v7;
	v28 =	vadd.f32 v28, v51  }
0xcc: {  	v14 =	vmul.f32 v58, v14;
	v58 =	vld.idx.msk [tilespmem:v49+s2+$0x0], $0xffff;
	v22 =	vadd.f32 v57, v22;
	v27 =	vadd.f32 v59, v27  }
0xcd: {  	v23 =	vnsel vm0, $0x0, v23;
	v53 =	vld [tilespmem:$0x360];
	v35 =	vnsel vm0, $0x0, v61;
	v36 =	vmul.f32 v28, v56  }
0xce: {  	v62 =	vld [tilespmem:$0x390];
	v22 =	vadd.f32 v23, v22;
	v23 =	vadd.f32 v35, v27  }
0xcf: {  	v46 =	vld [tilespmem:$0x410];
	vm1 =	vge.f32 v36, $0.0e+00  }
0xd0: {  	v47 =	vld [tilespmem:$0x340];
	v22 =	vsel vm1, v23, v22  }
0xd1: {  	v52 =	vld [tilespmem:$0x450];
	v43 =	vperm.xlane v22, v17  }
0xd2: {  	v41 =	vsel vm0, v0, v11;
	v11 =	vmul.f32 v60, v11;
	v13 =	vmul.f32 v63, v13;
	v48 =	vld [tilespmem:$0x430]  }
0xd3: {  	v5 =	vmul.f32 v38, v5;
	v8 =	vmul.f32 v42, v8;
	v50 =	vld [tilespmem:$0x440];
	v22 =	vadd.f32 v22, v43  }
0xd4: {  	v11 =	vnsel vm0, $0x0, v11;
	v15 =	vmul.f32 v53, v15;
	v44 =	vmul.f32 v62, v41;
	v37 =	vld [tilespmem:$0x3B0]  }
0xd5: {  	v53 =	vimm.s32 $0x490;
	v40 =	vld [tilespmem:$0x3E0];
	v25 =	vmul.f32 v47, v0;
	v29 =	vperm.xlane v22, v18  }
0xd6: {  	v45 =	vld [tilespmem:$0x400];
	v2 =	vmul.f32 v46, v2;
	v9 =	vmul.f32 v52, v9;
	v51 =	vimm.s32 $0x510  }
0xd7: {  	v47 =	vld [tilespmem:$0x420];
	v0 =	vsel vm0, v0, v1;
	v16 =	vadd.f32 v16, v25;
	v22 =	vadd.f32 v22, v29  }
0xd8: {  	v55 =	vimm.s32 $0x4A0;
	v0 =	vmul.f32 v48, v0;
	v10 =	vmul.f32 v50, v10;
	v39 =	vld [tilespmem:$0x3D0]  }
0xd9: {  	v13 =	vadd.f32 v13, v44;
	v15 =	vadd.f32 v15, v16;
	v54 =	vld [tilespmem:$0x460];
	v57 =	vperm.xlane v22, v19  }
0xda: {  	v12 =	vmul.f32 v37, v12;
	v21 =	vmul.f32 v40, v21;
	v0 =	vadd.f32 v10, v0;
	v56 =	vld [tilespmem:$0x470]  }
0xdb: {  	v4 =	vmul.f32 v45, v4;
	v14 =	vadd.f32 v14, v15;
	v59 =	vld.idx.msk [tilespmem:v51+s2+$0x0], $0xffff;
	v60 =	vadd.f32 v22, v57  }
0xdc: {  	v61 =	vld.idx.msk [tilespmem:v53+s2+$0x0], $0xffff;
	v1 =	vmul.f32 v47, v1;
	v12 =	vadd.f32 v12, v13;
	v8 =	vadd.f32 v8, v21  }
0xdd: {  	v62 =	vld.idx.msk [tilespmem:v55+s2+$0x0], $0xffff;
	v0 =	vadd.f32 v9, v0;
	v11 =	vadd.f32 v11, v14;
	v63 =	vperm.xlane v60, v20  }
0xde: {  	v1 =	vnsel vm0, $0x0, v1;
	v5 =	vadd.f32 v5, v12;
	v4 =	vadd.f32 v4, v8  }
0xdf: {  	v3 =	vmul.f32 v39, v3;
	v9 =	vmul.f32 v54, v6;
	v16 =	vadd.f32 v60, v63  }
0xe0: {  	v2 =	vadd.f32 v2, v4;
	v23 =	vsel vm1, v59, v58;
	v22 =	vmul.f32 v56, v7  }
0xe1: {  	v3 =	vnsel vm0, $0x0, v3;
	v0 =	vadd.f32 v9, v0;
	v25 =	vadd.f32 v16, v23  }
0xe2: {  	v3 =	vadd.f32 v3, v5;
	v27 =	vsel vm1, v62, v61;
	v26 =	vnsel vm0, $0x0, v22  }
0xe3: {  	v1 =	vadd.f32 v1, v2;
	v0 =	vadd.f32 v26, v0;
	v28 =	vmul.f32 v25, v27;
	_ =	sdelay $0x1  }
0xe4: {  	v1 =	vsel vm1, v1, v11;
	v0 =	vsel vm1, v0, v3;
	vm14 =	vge.f32 v28, $0.0e+00  }
0xe5: {  	v38 =	vimm.s32 $0x4D0;
	v0 =	vsel vm14, v0, v1  }
0xe6: {  	v34 =	vimm.s32 $0x540;
	v31 =	vperm.xlane v0, v17  }
0xe7: {  	v32 =	vimm.s32 $0x520  }
0xe8: {  	v33 =	vimm.s32 $0x530;
	v0 =	vadd.f32 v0, v31  }
0xe9: {  	v39 =	vimm.s32 $0x4E0  }
0xea: {  	v41 =	vld.idx.msk [tilespmem:v38+s2+$0x0], $0xffff;
	v35 =	vimm.s32 $0x550;
	v36 =	vsub.f32 $0.0e+00, v36;
	v37 =	vperm.xlane v0, v18  }
0xeb: {  	v4 =	vld.idx.msk [tilespmem:v34+s2+$0x0], $0xffff;
	v29 =	vimm.s32 $0x4B0;
	v2 =	vsub.f32 $0.0e+00, v28  }
0xec: {  	v30 =	vimm.s32 $0x4C0;
	v5 =	vld.idx.msk [tilespmem:v32+s2+$0x0], $0xffff;
	v8 =	vmul.f32 $1.442695020e+00, v36;
	v0 =	vadd.f32 v0, v37  }
0xed: {  	v6 =	vld.idx.msk [tilespmem:v33+s2+$0x0], $0xffff;
	v2 =	vmul.f32 $1.442695020e+00, v2  }
0xee: {  	v42 =	vld.idx.msk [tilespmem:v39+s2+$0x0], $0xffff;
	(erf) = vpow2.f32 v8;
	v40 =	vperm.xlane v0, v19  }
0xef: {  	v7 =	vld.idx.msk [tilespmem:v35+s2+$0x0], $0xffff;
	(erf) = vpow2.f32 v2  }
0xf0: {  	v3 =	vld.idx.msk [tilespmem:v29+s2+$0x0], $0xffff;
	v0 =	vadd.f32 v0, v40  }
0xf1: {  	v1 =	vld.idx.msk [tilespmem:v30+s2+$0x0], $0xffff  }
0xf2: {  	v43 =	vperm.xlane v0, v20;
	_ =	sdelay $0x1  }
0xf3: {  	v4 =	vsel vm1, v4, v5;
	v44 =	vsel vm1, v7, v6;
	v0 =	vadd.f32 v0, v43  }
0xf4: {  	v4 =	vsel vm14, v44, v4  }
0xf5: {  	v2 =	vsel vm1, v41, v3;
	v1 =	vsel vm1, v42, v1;
	v0 =	vadd.f32 v0, v4  }
0xf6: {  	v45 =	vpop (erf);
	v1 =	vsel vm14, v1, v2  }
0xf7: {  	v46 =	vpop (erf);
	v0 =	vmul.f32 v0, v1  }
0xf8: {  	v47 =	vadd.f32 $1.000000000e+00, v45;
	v2 =	vadd.f32 $1.000000000e+00, v46  }
0xf9: {  	v48 =	vsub.f32 $0.0e+00, v0  }
0xfa: {  	v1 =	vmul.f32 v2, v47  }
0xfb: {  	v49 =	vmul.f32 $1.442695020e+00, v48  }
0xfc: {  	(erf) = vrcp.f32 v1  }
0xfd: {  	(erf) = vpow2.f32 v49;
	_ =	sdelay $0x7  }
0xfe: {  	v1 =	vpop (erf)  }
0xff: {  	v52 =	vld [tilespmem:$0x570];
	v51 =	vpop (erf)  }
0x100: {  	v53 =	vld [tilespmem:$0x580];
	v3 =	vadd.f32 $1.000000000e+00, v51  }
0x101: {  	v50 =	vld [tilespmem:$0x560]  }
0x102: {  	v55 =	vld [tilespmem:$0x5A0];
	(erf) = vrcp.f32 v3  }
0x103: {  	v54 =	vld [tilespmem:$0x590]  }
0x104: {  	v58 =	vld [tilespmem:$0x5D0]  }
0x105: {  	v56 =	vld [tilespmem:$0x5B0]  }
0x106: {  	v57 =	vld [tilespmem:$0x5C0];
	_ =	sdelay $0x3  }
0x107: {  	v60 =	vsel vm1, v58, v54;
	v4 =	vsel vm1, v56, v52  }
0x108: {  	v59 =	vsel vm1, v57, v53;
	v4 =	vsel vm14, v60, v4;
	v2 =	vsel vm1, v55, v50;
	v61 =	vpop (erf)  }
0x109: {  	v2 =	vsel vm14, v59, v2;
	vm15 =	vge.f32 v0, $0.0e+00;
	v62 =	vmul.f32 v61, v1  }
0x10a: {  	v63 =	vsel vm15, v4, v2  }
0x10b: {  	v0 =	vmul.f32 v62, v63;
	_ =	sdelay $0x1  }
0x10c: {  	s29 =	simm.s32 $0x5E0;
	s31 =	simm.s32 $0x2;
	s30 =	rddreg [dreg:$0xf];
	[tilespmem:$0x5E0] =	vst v0  }
0x10d: {  	[hbm4b:s30+s2] =	stream.linear.scatter [tilespmem:s29], [sflag:$0x2], $0x8, $0x38;
	[tilespmem:$0x600] =	vst v63  }
0x10e: {  	s2 =	rddreg [dreg:$0xe];
	_ =	swait.ge [sflag:s31], $0x8  }
0x10f: {  	[sflag:s31] =	ssyncset.done $0x0  }
0x110: {  	[sflag:s31] =	ssyncadd.s32 $0xFFFFFFF8  }
.LBB3_2:
0x111: {  	_ =	sfence.sel $0x180000  }
0x112: {  	[bflag:$0x0] =	sbarrier.arrive $0xFFFF  }
0x113: {  	_ =	strace $0x90000047  }
0x114: {  	s0 =	sadd.s32 @!p0 $0x100000, s2;
	[bflag:$0x2] =	sbarrier.arrive $0xFFFF  }
0x115: {  	[sflag:s0] =	ssyncadd.tile.s32 @!p0 $0x1;
	_ =	shalt  }
.Lfunc_end3:
_tile_overlayer_lowered:
.L_overlay_start_3:
0x116: {  	(tag) =	ssettag $0x3  }
0x117: {  	s0 =	rddreg [dreg:$0x0];
	s2 =	stileid.u32  }
0x118: {  	s1 =	rddreg [dreg:$0x1];
	p0 =	sne.s32 s2, $0x0  }
0x119: {  	s3 =	rddreg [dreg:$0x2];
	[bflag:$0x3] =	sbarrier.arrive $0xFFFF;
	s2 =	simm.s32 @!p0 $0x1C02  }
0x11a: {  	[timem:s3], [sflag:s2] =	dma.local @!p0 [hbm:s0], s1  }
0x11b: {  	s0 =	simm.s32 @!p0 $0x2  }
0x11c: {  	_ =	swait.ge @!p0 [sflag:s0], s1  }
0x11d: {  	s1 =	ssub.s32 @!p0 $0x0, s1;
	[sflag:s0] =	ssyncset.done @!p0 $0x0  }
0x11e: {  	[sflag:s0] =	ssyncadd.s32 @!p0 s1  }
0x11f: {  	[bflag:$0x3] =	sbarrier.arrive $0xFFFF  }
0x120: {  	_ =	shalt  }

</sc_bundles>
